<compile_context>
chip_gen: v7x
topology: tpu7x:2x2x1
jax: 0.10.2.dev20260603
libtpu: 0.0.44.dev20260713+nightly
codegen_flags: <defaults>
</compile_context>

<pallas_src>
import functools
import itertools

import numpy as np
import jax
import jax.numpy as jnp
from jax import lax
from jax.experimental import pallas as pl
from jax.experimental.pallas import tpu as pltpu
from jax.experimental.pallas import tpu_sc as plsc

_ORDER = 8
_T = 2**_ORDER - 1
_B = 16384
_NC, _NS = 2, 16
_NW = _NC * _NS
_L = 16

_SC_B = 8192
_TC_B = _B - _SC_B
_BPW = _SC_B // _NW
_TC_BLK = 2048
_SUB = _TC_BLK // 128


def _combo_masks():
    combos = []
    for i in range(1, _ORDER + 1):
        combos.extend(itertools.combinations(range(_ORDER), i))
    masks = np.zeros((_T,), dtype=np.int64)
    for t, c in enumerate(combos):
        for j in c:
            masks[t] |= 1 << j
    return masks


_MASKS = _combo_masks()

_PERM = np.zeros((256,), dtype=np.int32)
_PERM[_MASKS] = np.arange(_T, dtype=np.int32)
_PERM_PACKED = (
    (_PERM.reshape(64, 4).astype(np.int64) * (1 << (8 * np.arange(4, dtype=np.int64)))).sum(axis=1)
)
_PERM_PACKED = [int(x) - (1 << 32) if x >= (1 << 31) else int(x) for x in _PERM_PACKED]

_CODES = np.arange(256, dtype=np.int64)
_POPC = np.zeros((256, _T), dtype=np.int64)
_AND = _CODES[:, None] & _MASKS[None, :]
for _bit in range(8):
    _POPC += (_AND >> _bit) & 1
_SIGNS = (1.0 - 2.0 * (_POPC & 1)).astype(np.float32)
_POW2 = np.zeros((128,), dtype=np.float32)
_POW2[:_ORDER] = (1 << np.arange(_ORDER)).astype(np.float32)

_MESH = plsc.VectorSubcoreMesh(
    core_axis_name="c", subcore_axis_name="s", num_cores=_NC, num_subcores=_NS
)


@functools.partial(
    pl.kernel,
    mesh=_MESH,
    compiler_params=pltpu.CompilerParams(needs_layout_passes=False),
    out_type=jax.ShapeDtypeStruct((_SC_B,), jnp.float32),
    scratch_types=[
        pltpu.VMEM((_BPW, 128), jnp.int32),
        pltpu.VMEM((256,), jnp.float32),
        pltpu.VMEM((256,), jnp.float32),
        pltpu.VMEM((64,), jnp.int32),
        pltpu.VMEM((_BPW,), jnp.float32),
        pltpu.SemaphoreType.DMA,
    ],
)
def _kobe_sc(bits_hbm, vars_hbm, out_hbm, bits_v, vars_v, lut_v, packed_v, out_v, sem):
    wid = lax.axis_index("s") * _NC + lax.axis_index("c")
    base = wid * _BPW

    bits_dma = pltpu.async_copy(
        bits_hbm.at[pl.ds(base, _BPW), pl.ds(0, 128)], bits_v, sem
    )
    pltpu.sync_copy(vars_hbm, vars_v.at[pl.ds(0, _T)])

    lane = lax.iota(jnp.int32, _L)

    for g in range(4):
        acc = jnp.full((_L,), _PERM_PACKED[g * _L], jnp.int32)
        for k in range(1, _L):
            acc = jnp.where(lane == k, jnp.int32(_PERM_PACKED[g * _L + k]), acc)
        packed_v[pl.ds(g * _L, _L)] = acc
    shamt = (lane & 3) * 8
    for i in range(256 // _L):
        pidx = (lane >> 2) + (4 * i)
        pg = plsc.load_gather(packed_v, [pidx])
        idx = (pg >> shamt) & 255
        lut_v[pl.ds(i * _L, _L)] = plsc.load_gather(vars_v, [idx])
    v0 = lut_v[pl.ds(0, _L)]
    lut_v[pl.ds(0, _L)] = jnp.where(lane == 0, jnp.float32(0.0), v0)

    def inlane_body(it, _):
        lg = it // (256 // _L)
        i = it % (256 // _L)
        d = jnp.int32(1) << lg
        sign = (1 - 2 * ((lane >> lg) & 1)).astype(jnp.float32)
        pidx = (lane ^ d) + i * _L
        x = lut_v[pl.ds(i * _L, _L)]
        partner = plsc.load_gather(lut_v, [pidx])
        lut_v[pl.ds(i * _L, _L)] = partner + sign * x
        return _

    lax.fori_loop(0, 4 * (256 // _L), inlane_body, 0, unroll=2)

    for dr in (1, 2, 4, 8):
        for p in range(16):
            if p & dr:
                continue
            a = lut_v[pl.ds(p * _L, _L)]
            b = lut_v[pl.ds((p + dr) * _L, _L)]
            lut_v[pl.ds(p * _L, _L)] = a + b
            lut_v[pl.ds((p + dr) * _L, _L)] = a - b

    bits_dma.wait()

    def main_body(k, _):
        rows = lane + k * _L
        acc = plsc.load_gather(bits_v, [rows, jnp.zeros((_L,), jnp.int32)])
        for j in range(1, _ORDER):
            bj = plsc.load_gather(bits_v, [rows, jnp.full((_L,), j, jnp.int32)])
            acc = acc + (bj << j)
        out_v[pl.ds(k * _L, _L)] = plsc.load_gather(lut_v, [acc])
        return _

    lax.fori_loop(0, _BPW // _L, main_body, 0, unroll=2)

    pltpu.sync_copy(out_v, out_hbm.at[pl.ds(base, _BPW)])


def _tc_body(bits_ref, vars_ref, signs_ref, pow2_ref, out_ref):
    signs = signs_ref[...]
    pow2 = pow2_ref[:]
    lut = jnp.dot(signs, vars_ref[:], preferred_element_type=jnp.float32)
    bits = bits_ref[...].astype(jnp.float32)
    b3 = bits.reshape(_SUB, 128, 128)
    codes = lax.dot_general(
        b3, pow2, (((2,), (0,)), ((), ())), preferred_element_type=jnp.float32
    )
    codes_i = codes.astype(jnp.int32)
    onehot = (
        codes_i[..., None] == lax.broadcasted_iota(jnp.int32, (1, 1, 256), 2)
    ).astype(jnp.float32)
    out_ref[...] = lax.dot_general(
        onehot, lut, (((2,), (0,)), ((), ())), preferred_element_type=jnp.float32
    )


_kobe_tc = pl.pallas_call(
    _tc_body,
    grid=(_TC_B // _TC_BLK,),
    in_specs=[
        pl.BlockSpec((_TC_BLK, 128), lambda i: (i + _SC_B // _TC_BLK, 0)),
        pl.BlockSpec((_T,), lambda i: (0,)),
        pl.BlockSpec((256, _T), lambda i: (0, 0)),
        pl.BlockSpec((128,), lambda i: (0,)),
    ],
    out_specs=pl.BlockSpec((_SUB, 128), lambda i: (i, 0)),
    out_shape=jax.ShapeDtypeStruct((_TC_B // 128, 128), jnp.float32),
)


def kernel(bitstrings, variables):
    v = variables.astype(jnp.float32)
    sc_part = _kobe_sc(bitstrings, v)
    tc_part = _kobe_tc(
        bitstrings, v, jnp.asarray(_SIGNS), jnp.asarray(_POW2)
    )
    return jnp.concatenate([sc_part, tc_part.reshape(_TC_B)])

# --- scband reference (transcript-rebuilt; emitter-appended) ---
"""Pipeline reference for scband-kobe-34462817583803 (READ-ONLY COPY).

The authoritative reference and input builder live on the scoring server;
editing this copy changes nothing except your own understanding.
"""

import jax, jax.numpy as jnp
import numpy as np
import itertools

ORDER = 8
NUM_BITS = 256
BATCH = 16384


def build_indices():
    # Ragged combination indices, identical to the TF module:
    # for i in 1..order, all combinations of range(order) taken i at a time.
    idx_list = []
    for i in range(1, ORDER + 1):
        idx_list.extend(itertools.combinations(range(ORDER), i))
    T = len(idx_list)  # 2**ORDER - 1 = 255
    max_len = ORDER
    padded = np.zeros((T, max_len), dtype=np.int32)
    mask = np.zeros((T, max_len), dtype=bool)
    for t, c in enumerate(idx_list):
        padded[t, : len(c)] = np.asarray(c, dtype=np.int32)
        mask[t, : len(c)] = True
    return jnp.asarray(padded), jnp.asarray(mask)


def setup_inputs(seed: int = 0) -> dict:
    key = jax.random.key(seed)
    k1, k2 = jax.random.split(key)
    bitstrings = jax.random.randint(k1, (BATCH, NUM_BITS), 0, 2, dtype=jnp.int32)
    T = 2 ** ORDER - 1
    # keras RandomUniform default: U(-0.05, 0.05)
    variables = jax.random.uniform(k2, (T,), dtype=jnp.float32, minval=-0.05, maxval=0.05)
    return {"bitstrings": bitstrings, "variables": variables}


def reference(bitstrings, variables):
    padded, mask = build_indices()
    # spins = 1 - 2 * bitstrings  (maps {0,1} -> {+1,-1})
    spins = (1 - 2 * bitstrings).astype(jnp.float32)  # [B, num_bits]
    # gather spins for each ragged term (padded positions contribute 1 to the product)
    gathered = jnp.take(spins, padded, axis=-1)  # [B, T, max_len]
    gathered = jnp.where(mask[None, :, :], gathered, 1.0)
    parities = jnp.prod(gathered, axis=-1)  # [B, T]  == transpose(parities_t) in TF code
    return jnp.sum(parities * variables, axis=-1)  # [B]

if __name__ == "__main__":
    import jax
    _d = setup_inputs()
    print(jax.jit(kernel)(*tuple(_d.values())))

</pallas_src>

<mosaic_0001>
#map = affine_map<(d0, d1) -> (0, 0)>
#map1 = affine_map<(d0, d1) -> (0)>
module attributes {stable_mosaic.version = 14 : i64} {
  func.func @_kobe_sc(%arg0: i32, %arg1: i32, %arg2: memref<16384x256xi32, #tpu.memory_space<hbm>>, %arg3: memref<255xf32, #tpu.memory_space<hbm>>, %arg4: memref<8192xf32, #tpu.memory_space<hbm>>, %arg5: memref<256x128xi32, #tpu.memory_space<vmem>>, %arg6: memref<256xf32, #tpu.memory_space<vmem>>, %arg7: memref<256xf32, #tpu.memory_space<vmem>>, %arg8: memref<64xi32, #tpu.memory_space<vmem>>, %arg9: memref<256xf32, #tpu.memory_space<vmem>>, %arg10: memref<!tpu.dma_semaphore, #tpu.memory_space<semaphore_mem>>) attributes {dimension_semantics = [#tpu.dimension_semantics<core_parallel>, #tpu.dimension_semantics<subcore_parallel>], iteration_bounds = array<i64: 2, 16>, scalar_prefetch = 0 : i64, scratch_operands = 6 : i64, tpu.core_type = #tpu.core_type<sc_vector_subcore>, window_params = [{transform_indices = #map}, {transform_indices = #map1}, {transform_indices = #map1}]} {
    %mul3A = arith.constant 2 : i32
    %mul3A_0 = arith.muli %arg1, %mul3A : i32
    %add3A = arith.addi %mul3A_0, %arg0 : i32
    %mul3A_1 = arith.constant 256 : i32
    %mul3A_2 = arith.muli %add3A, %mul3A_1 : i32
    %dma_start3A = arith.constant 0 : i32
    %dma_start3A_3 = tpu.memref_slice %arg2[%mul3A_2, %dma_start3A] : memref<16384x256xi32, #tpu.memory_space<hbm>> -> memref<256x128xi32, #tpu.memory_space<hbm>>
    %dma_start3A_4 = arith.constant 0 : i32
    %dma_start3A_5 = tpu.memref_slice %arg2[%mul3A_2, %dma_start3A_4] : memref<16384x256xi32, #tpu.memory_space<hbm>> -> memref<256x128xi32, #tpu.memory_space<hbm>>
    tpu.enqueue_dma source(%dma_start3A_5 : memref<256x128xi32, #tpu.memory_space<hbm>>) target(%arg5 : memref<256x128xi32, #tpu.memory_space<vmem>>) target_semaphore(%arg10 : memref<!tpu.dma_semaphore, #tpu.memory_space<semaphore_mem>>)
    "tpu.region"() ({
      %run_scoped3A = tpu.sem_alloc : memref<!tpu.dma_semaphore, #tpu.memory_space<semaphore_mem>>
      %dma_start3A_946 = arith.constant 0 : i32
      %dma_start3A_947 = tpu.memref_slice %arg6[%dma_start3A_946] : memref<256xf32, #tpu.memory_space<vmem>> -> memref<255xf32, #tpu.memory_space<vmem>>
      %dma_start3A_948 = arith.constant 0 : i32
      %dma_start3A_949 = tpu.memref_slice %arg6[%dma_start3A_948] : memref<256xf32, #tpu.memory_space<vmem>> -> memref<255xf32, #tpu.memory_space<vmem>>
      tpu.enqueue_dma source(%arg3 : memref<255xf32, #tpu.memory_space<hbm>>) target(%dma_start3A_949 : memref<255xf32, #tpu.memory_space<vmem>>) target_semaphore(%run_scoped3A : memref<!tpu.dma_semaphore, #tpu.memory_space<semaphore_mem>>)
      %dma_wait3A_950 = arith.constant 0 : i32
      %dma_wait3A_951 = tpu.memref_slice %arg6[%dma_wait3A_950] : memref<256xf32, #tpu.memory_space<vmem>> -> memref<255xf32, #tpu.memory_space<vmem>>
      %dma_wait3A_952 = arith.constant 0 : i32
      %dma_wait3A_953 = tpu.memref_slice %arg6[%dma_wait3A_952] : memref<256xf32, #tpu.memory_space<vmem>> -> memref<255xf32, #tpu.memory_space<vmem>>
      tpu.wait_dma2 semaphore(%run_scoped3A : memref<!tpu.dma_semaphore, #tpu.memory_space<semaphore_mem>>) src(%arg3 : memref<255xf32, #tpu.memory_space<hbm>>) dst(%dma_wait3A_953 : memref<255xf32, #tpu.memory_space<vmem>>)
      tpu.yield
    }) : () -> ()
    %iota3A = tpu.iota {dimensions = array<i32: 0>} : vector<16xi32>
    %broadcast_in_dim3A = arith.constant 134283264 : i32
    %broadcast_in_dim3A_6 = vector.broadcast %broadcast_in_dim3A : i32 to vector<16xi32>
    %eq3A = arith.constant 1 : i32
    %eq3A_7 = vector.broadcast %eq3A : i32 to vector<16xi32>
    %eq3A_8 = arith.cmpi eq, %iota3A, %eq3A_7 : vector<16xi32>
    %jit3A = arith.constant 604965122 : i32
    %broadcast_in_dim3A_9 = vector.broadcast %jit3A : i32 to vector<16xi32>
    %select_n3A = arith.select %eq3A_8, %broadcast_in_dim3A_9, %broadcast_in_dim3A_6 : vector<16xi1>, vector<16xi32>
    %eq3A_10 = arith.constant 2 : i32
    %eq3A_11 = vector.broadcast %eq3A_10 : i32 to vector<16xi32>
    %eq3A_12 = arith.cmpi eq, %iota3A, %eq3A_11 : vector<16xi32>
    %jit3A_13 = arith.constant 621808131 : i32
    %broadcast_in_dim3A_14 = vector.broadcast %jit3A_13 : i32 to vector<16xi32>
    %select_n3A_15 = arith.select %eq3A_12, %broadcast_in_dim3A_14, %select_n3A : vector<16xi1>, vector<16xi32>
    %eq3A_16 = arith.constant 3 : i32
    %eq3A_17 = vector.broadcast %eq3A_16 : i32 to vector<16xi32>
    %eq3A_18 = arith.cmpi eq, %iota3A, %eq3A_17 : vector<16xi32>
    %jit3A_19 = arith.constant 1547250197 : i32
    %broadcast_in_dim3A_20 = vector.broadcast %jit3A_19 : i32 to vector<16xi32>
    %select_n3A_21 = arith.select %eq3A_18, %broadcast_in_dim3A_20, %select_n3A_15 : vector<16xi1>, vector<16xi32>
    %eq3A_22 = arith.constant 4 : i32
    %eq3A_23 = vector.broadcast %eq3A_22 : i32 to vector<16xi32>
    %eq3A_24 = arith.cmpi eq, %iota3A, %eq3A_23 : vector<16xi32>
    %jit3A_25 = arith.constant 638651140 : i32
    %broadcast_in_dim3A_26 = vector.broadcast %jit3A_25 : i32 to vector<16xi32>
    %select_n3A_27 = arith.select %eq3A_24, %broadcast_in_dim3A_26, %select_n3A_21 : vector<16xi1>, vector<16xi32>
    %eq3A_28 = arith.constant 5 : i32
    %eq3A_29 = vector.broadcast %eq3A_28 : i32 to vector<16xi32>
    %eq3A_30 = arith.cmpi eq, %iota3A, %eq3A_29 : vector<16xi32>
    %jit3A_31 = arith.constant 1564093206 : i32
    %broadcast_in_dim3A_32 = vector.broadcast %jit3A_31 : i32 to vector<16xi32>
    %select_n3A_33 = arith.select %eq3A_30, %broadcast_in_dim3A_32, %select_n3A_27 : vector<16xi1>, vector<16xi32>
    %eq3A_34 = arith.constant 6 : i32
    %eq3A_35 = vector.broadcast %eq3A_34 : i32 to vector<16xi32>
    %eq3A_36 = arith.cmpi eq, %iota3A, %eq3A_35 : vector<16xi32>
    %jit3A_37 = arith.constant 1631465242 : i32
    %broadcast_in_dim3A_38 = vector.broadcast %jit3A_37 : i32 to vector<16xi32>
    %select_n3A_39 = arith.select %eq3A_36, %broadcast_in_dim3A_38, %select_n3A_33 : vector<16xi1>, vector<16xi32>
    %eq3A_40 = arith.constant 7 : i32
    %eq3A_41 = vector.broadcast %eq3A_40 : i32 to vector<16xi32>
    %eq3A_42 = arith.cmpi eq, %iota3A, %eq3A_41 : vector<16xi32>
    %jit3A_43 = arith.constant -1568707768 : i32
    %broadcast_in_dim3A_44 = vector.broadcast %jit3A_43 : i32 to vector<16xi32>
    %select_n3A_45 = arith.select %eq3A_42, %broadcast_in_dim3A_44, %select_n3A_39 : vector<16xi1>, vector<16xi32>
    %eq3A_46 = arith.constant 8 : i32
    %eq3A_47 = vector.broadcast %eq3A_46 : i32 to vector<16xi32>
    %eq3A_48 = arith.cmpi eq, %iota3A, %eq3A_47 : vector<16xi32>
    %jit3A_49 = arith.constant 655494149 : i32
    %broadcast_in_dim3A_50 = vector.broadcast %jit3A_49 : i32 to vector<16xi32>
    %select_n3A_51 = arith.select %eq3A_48, %broadcast_in_dim3A_50, %select_n3A_45 : vector<16xi1>, vector<16xi32>
    %eq3A_52 = arith.constant 9 : i32
    %eq3A_53 = vector.broadcast %eq3A_52 : i32 to vector<16xi32>
    %eq3A_54 = arith.cmpi eq, %iota3A, %eq3A_53 : vector<16xi32>
    %jit3A_55 = arith.constant 1580936215 : i32
    %broadcast_in_dim3A_56 = vector.broadcast %jit3A_55 : i32 to vector<16xi32>
    %select_n3A_57 = arith.select %eq3A_54, %broadcast_in_dim3A_56, %select_n3A_51 : vector<16xi1>, vector<16xi32>
    %eq3A_58 = arith.constant 10 : i32
    %eq3A_59 = vector.broadcast %eq3A_58 : i32 to vector<16xi32>
    %eq3A_60 = arith.cmpi eq, %iota3A, %eq3A_59 : vector<16xi32>
    %jit3A_61 = arith.constant 1648308251 : i32
    %broadcast_in_dim3A_62 = vector.broadcast %jit3A_61 : i32 to vector<16xi32>
    %select_n3A_63 = arith.select %eq3A_60, %broadcast_in_dim3A_62, %select_n3A_57 : vector<16xi1>, vector<16xi32>
    %eq3A_64 = arith.constant 11 : i32
    %eq3A_65 = vector.broadcast %eq3A_64 : i32 to vector<16xi32>
    %eq3A_66 = arith.cmpi eq, %iota3A, %eq3A_65 : vector<16xi32>
    %jit3A_67 = arith.constant -1551864759 : i32
    %broadcast_in_dim3A_68 = vector.broadcast %jit3A_67 : i32 to vector<16xi32>
    %select_n3A_69 = arith.select %eq3A_66, %broadcast_in_dim3A_68, %select_n3A_63 : vector<16xi1>, vector<16xi32>
    %eq3A_70 = arith.constant 12 : i32
    %eq3A_71 = vector.broadcast %eq3A_70 : i32 to vector<16xi32>
    %eq3A_72 = arith.cmpi eq, %iota3A, %eq3A_71 : vector<16xi32>
    %jit3A_73 = arith.constant 1698837278 : i32
    %broadcast_in_dim3A_74 = vector.broadcast %jit3A_73 : i32 to vector<16xi32>
    %select_n3A_75 = arith.select %eq3A_72, %broadcast_in_dim3A_74, %select_n3A_69 : vector<16xi1>, vector<16xi32>
    %eq3A_76 = arith.constant 13 : i32
    %eq3A_77 = vector.broadcast %eq3A_76 : i32 to vector<16xi32>
    %eq3A_78 = arith.cmpi eq, %iota3A, %eq3A_77 : vector<16xi32>
    %jit3A_79 = arith.constant -1501335732 : i32
    %broadcast_in_dim3A_80 = vector.broadcast %jit3A_79 : i32 to vector<16xi32>
    %select_n3A_81 = arith.select %eq3A_78, %broadcast_in_dim3A_80, %select_n3A_75 : vector<16xi1>, vector<16xi32>
    %eq3A_82 = arith.constant 14 : i32
    %eq3A_83 = vector.broadcast %eq3A_82 : i32 to vector<16xi32>
    %eq3A_84 = arith.cmpi eq, %iota3A, %eq3A_83 : vector<16xi32>
    %jit3A_85 = arith.constant -1400277678 : i32
    %broadcast_in_dim3A_86 = vector.broadcast %jit3A_85 : i32 to vector<16xi32>
    %select_n3A_87 = arith.select %eq3A_84, %broadcast_in_dim3A_86, %select_n3A_81 : vector<16xi1>, vector<16xi32>
    %eq3A_88 = arith.constant 15 : i32
    %eq3A_89 = vector.broadcast %eq3A_88 : i32 to vector<16xi32>
    %eq3A_90 = arith.cmpi eq, %iota3A, %eq3A_89 : vector<16xi32>
    %jit3A_91 = arith.constant -624576877 : i32
    %broadcast_in_dim3A_92 = vector.broadcast %jit3A_91 : i32 to vector<16xi32>
    %select_n3A_93 = arith.select %eq3A_90, %broadcast_in_dim3A_92, %select_n3A_87 : vector<16xi1>, vector<16xi32>
    %swap3A = arith.constant 0 : index
    %swap3A_94 = tpu.vector_load %arg8[%swap3A] {strides = array<i32>} : memref<64xi32, #tpu.memory_space<vmem>>, vector<16xi32>,
    tpu.vector_store %arg8[%swap3A], %select_n3A_93 {strides = array<i32>} : memref<64xi32, #tpu.memory_space<vmem>>, vector<16xi32>,
    %broadcast_in_dim3A_95 = arith.constant 672337158 : i32
    %broadcast_in_dim3A_96 = vector.broadcast %broadcast_in_dim3A_95 : i32 to vector<16xi32>
    %eq3A_97 = arith.constant 1 : i32
    %eq3A_98 = vector.broadcast %eq3A_97 : i32 to vector<16xi32>
    %eq3A_99 = arith.cmpi eq, %iota3A, %eq3A_98 : vector<16xi32>
    %jit3A_100 = arith.constant 1597779224 : i32
    %broadcast_in_dim3A_101 = vector.broadcast %jit3A_100 : i32 to vector<16xi32>
    %select_n3A_102 = arith.select %eq3A_99, %broadcast_in_dim3A_101, %broadcast_in_dim3A_96 : vector<16xi1>, vector<16xi32>
    %eq3A_103 = arith.constant 2 : i32
    %eq3A_104 = vector.broadcast %eq3A_103 : i32 to vector<16xi32>
    %eq3A_105 = arith.cmpi eq, %iota3A, %eq3A_104 : vector<16xi32>
    %jit3A_106 = arith.constant 1665151260 : i32
    %broadcast_in_dim3A_107 = vector.broadcast %jit3A_106 : i32 to vector<16xi32>
    %select_n3A_108 = arith.select %eq3A_105, %broadcast_in_dim3A_107, %select_n3A_102 : vector<16xi1>, vector<16xi32>
    %eq3A_109 = arith.constant 3 : i32
    %eq3A_110 = vector.broadcast %eq3A_109 : i32 to vector<16xi32>
    %eq3A_111 = arith.cmpi eq, %iota3A, %eq3A_110 : vector<16xi32>
    %jit3A_112 = arith.constant -1535021750 : i32
    %broadcast_in_dim3A_113 = vector.broadcast %jit3A_112 : i32 to vector<16xi32>
    %select_n3A_114 = arith.select %eq3A_111, %broadcast_in_dim3A_113, %select_n3A_108 : vector<16xi1>, vector<16xi32>
    %eq3A_115 = arith.constant 4 : i32
    %eq3A_116 = vector.broadcast %eq3A_115 : i32 to vector<16xi32>
    %eq3A_117 = arith.cmpi eq, %iota3A, %eq3A_116 : vector<16xi32>
    %jit3A_118 = arith.constant 1715680287 : i32
    %broadcast_in_dim3A_119 = vector.broadcast %jit3A_118 : i32 to vector<16xi32>
    %select_n3A_120 = arith.select %eq3A_117, %broadcast_in_dim3A_119, %select_n3A_114 : vector<16xi1>, vector<16xi32>
    %eq3A_121 = arith.constant 5 : i32
    %eq3A_122 = vector.broadcast %eq3A_121 : i32 to vector<16xi32>
    %eq3A_123 = arith.cmpi eq, %iota3A, %eq3A_122 : vector<16xi32>
    %jit3A_124 = arith.constant -1484492723 : i32
    %broadcast_in_dim3A_125 = vector.broadcast %jit3A_124 : i32 to vector<16xi32>
    %select_n3A_126 = arith.select %eq3A_123, %broadcast_in_dim3A_125, %select_n3A_120 : vector<16xi1>, vector<16xi32>
    %eq3A_127 = arith.constant 6 : i32
    %eq3A_128 = vector.broadcast %eq3A_127 : i32 to vector<16xi32>
    %eq3A_129 = arith.cmpi eq, %iota3A, %eq3A_128 : vector<16xi32>
    %jit3A_130 = arith.constant -1383434669 : i32
    %broadcast_in_dim3A_131 = vector.broadcast %jit3A_130 : i32 to vector<16xi32>
    %select_n3A_132 = arith.select %eq3A_129, %broadcast_in_dim3A_131, %select_n3A_126 : vector<16xi1>, vector<16xi32>
    %eq3A_133 = arith.constant 7 : i32
    %eq3A_134 = vector.broadcast %eq3A_133 : i32 to vector<16xi32>
    %eq3A_135 = arith.cmpi eq, %iota3A, %eq3A_134 : vector<16xi32>
    %jit3A_136 = arith.constant -607733868 : i32
    %broadcast_in_dim3A_137 = vector.broadcast %jit3A_136 : i32 to vector<16xi32>
    %select_n3A_138 = arith.select %eq3A_135, %broadcast_in_dim3A_137, %select_n3A_132 : vector<16xi1>, vector<16xi32>
    %eq3A_139 = arith.constant 8 : i32
    %eq3A_140 = vector.broadcast %eq3A_139 : i32 to vector<16xi32>
    %eq3A_141 = arith.cmpi eq, %iota3A, %eq3A_140 : vector<16xi32>
    %jit3A_142 = arith.constant 1749366305 : i32
    %broadcast_in_dim3A_143 = vector.broadcast %jit3A_142 : i32 to vector<16xi32>
    %select_n3A_144 = arith.select %eq3A_141, %broadcast_in_dim3A_143, %select_n3A_138 : vector<16xi1>, vector<16xi32>
    %eq3A_145 = arith.constant 9 : i32
    %eq3A_146 = vector.broadcast %eq3A_145 : i32 to vector<16xi32>
    %eq3A_147 = arith.cmpi eq, %iota3A, %eq3A_146 : vector<16xi32>
    %jit3A_148 = arith.constant -1450806705 : i32
    %broadcast_in_dim3A_149 = vector.broadcast %jit3A_148 : i32 to vector<16xi32>
    %select_n3A_150 = arith.select %eq3A_147, %broadcast_in_dim3A_149, %select_n3A_144 : vector<16xi1>, vector<16xi32>
    %eq3A_151 = arith.constant 10 : i32
    %eq3A_152 = vector.broadcast %eq3A_151 : i32 to vector<16xi32>
    %eq3A_153 = arith.cmpi eq, %iota3A, %eq3A_152 : vector<16xi32>
    %jit3A_154 = arith.constant -1349748651 : i32
    %broadcast_in_dim3A_155 = vector.broadcast %jit3A_154 : i32 to vector<16xi32>
    %select_n3A_156 = arith.select %eq3A_153, %broadcast_in_dim3A_155, %select_n3A_150 : vector<16xi1>, vector<16xi32>
    %eq3A_157 = arith.constant 11 : i32
    %eq3A_158 = vector.broadcast %eq3A_157 : i32 to vector<16xi32>
    %eq3A_159 = arith.cmpi eq, %iota3A, %eq3A_158 : vector<16xi32>
    %jit3A_160 = arith.constant -574047850 : i32
    %broadcast_in_dim3A_161 = vector.broadcast %jit3A_160 : i32 to vector<16xi32>
    %select_n3A_162 = arith.select %eq3A_159, %broadcast_in_dim3A_161, %select_n3A_156 : vector<16xi1>, vector<16xi32>
    %eq3A_163 = arith.constant 12 : i32
    %eq3A_164 = vector.broadcast %eq3A_163 : i32 to vector<16xi32>
    %eq3A_165 = arith.cmpi eq, %iota3A, %eq3A_164 : vector<16xi32>
    %jit3A_166 = arith.constant -1299219624 : i32
    %broadcast_in_dim3A_167 = vector.broadcast %jit3A_166 : i32 to vector<16xi32>
    %select_n3A_168 = arith.select %eq3A_165, %broadcast_in_dim3A_167, %select_n3A_162 : vector<16xi1>, vector<16xi32>
    %eq3A_169 = arith.constant 13 : i32
    %eq3A_170 = vector.broadcast %eq3A_169 : i32 to vector<16xi32>
    %eq3A_171 = arith.cmpi eq, %iota3A, %eq3A_170 : vector<16xi32>
    %jit3A_172 = arith.constant -523518823 : i32
    %broadcast_in_dim3A_173 = vector.broadcast %jit3A_172 : i32 to vector<16xi32>
    %select_n3A_174 = arith.select %eq3A_171, %broadcast_in_dim3A_173, %select_n3A_168 : vector<16xi1>, vector<16xi32>
    %eq3A_175 = arith.constant 14 : i32
    %eq3A_176 = vector.broadcast %eq3A_175 : i32 to vector<16xi32>
    %eq3A_177 = arith.cmpi eq, %iota3A, %eq3A_176 : vector<16xi32>
    %jit3A_178 = arith.constant -456146787 : i32
    %broadcast_in_dim3A_179 = vector.broadcast %jit3A_178 : i32 to vector<16xi32>
    %select_n3A_180 = arith.select %eq3A_177, %broadcast_in_dim3A_179, %select_n3A_174 : vector<16xi1>, vector<16xi32>
    %eq3A_181 = arith.constant 15 : i32
    %eq3A_182 = vector.broadcast %eq3A_181 : i32 to vector<16xi32>
    %eq3A_183 = arith.cmpi eq, %iota3A, %eq3A_182 : vector<16xi32>
    %jit3A_184 = arith.constant -152049196 : i32
    %broadcast_in_dim3A_185 = vector.broadcast %jit3A_184 : i32 to vector<16xi32>
    %select_n3A_186 = arith.select %eq3A_183, %broadcast_in_dim3A_185, %select_n3A_180 : vector<16xi1>, vector<16xi32>
    %swap3A_187 = arith.constant 16 : index
    %swap3A_188 = tpu.vector_load %arg8[%swap3A_187] {strides = array<i32>} : memref<64xi32, #tpu.memory_space<vmem>>, vector<16xi32>,
    tpu.vector_store %arg8[%swap3A_187], %select_n3A_186 {strides = array<i32>} : memref<64xi32, #tpu.memory_space<vmem>>, vector<16xi32>,
    %broadcast_in_dim3A_189 = arith.constant 689180167 : i32
    %broadcast_in_dim3A_190 = vector.broadcast %broadcast_in_dim3A_189 : i32 to vector<16xi32>
    %eq3A_191 = arith.constant 1 : i32
    %eq3A_192 = vector.broadcast %eq3A_191 : i32 to vector<16xi32>
    %eq3A_193 = arith.cmpi eq, %iota3A, %eq3A_192 : vector<16xi32>
    %jit3A_194 = arith.constant 1614622233 : i32
    %broadcast_in_dim3A_195 = vector.broadcast %jit3A_194 : i32 to vector<16xi32>
    %select_n3A_196 = arith.select %eq3A_193, %broadcast_in_dim3A_195, %broadcast_in_dim3A_190 : vector<16xi1>, vector<16xi32>
    %eq3A_197 = arith.constant 2 : i32
    %eq3A_198 = vector.broadcast %eq3A_197 : i32 to vector<16xi32>
    %eq3A_199 = arith.cmpi eq, %iota3A, %eq3A_198 : vector<16xi32>
    %jit3A_200 = arith.constant 1681994269 : i32
    %broadcast_in_dim3A_201 = vector.broadcast %jit3A_200 : i32 to vector<16xi32>
    %select_n3A_202 = arith.select %eq3A_199, %broadcast_in_dim3A_201, %select_n3A_196 : vector<16xi1>, vector<16xi32>
    %eq3A_203 = arith.constant 3 : i32
    %eq3A_204 = vector.broadcast %eq3A_203 : i32 to vector<16xi32>
    %eq3A_205 = arith.cmpi eq, %iota3A, %eq3A_204 : vector<16xi32>
    %jit3A_206 = arith.constant -1518178741 : i32
    %broadcast_in_dim3A_207 = vector.broadcast %jit3A_206 : i32 to vector<16xi32>
    %select_n3A_208 = arith.select %eq3A_205, %broadcast_in_dim3A_207, %select_n3A_202 : vector<16xi1>, vector<16xi32>
    %eq3A_209 = arith.constant 4 : i32
    %eq3A_210 = vector.broadcast %eq3A_209 : i32 to vector<16xi32>
    %eq3A_211 = arith.cmpi eq, %iota3A, %eq3A_210 : vector<16xi32>
    %jit3A_212 = arith.constant 1732523296 : i32
    %broadcast_in_dim3A_213 = vector.broadcast %jit3A_212 : i32 to vector<16xi32>
    %select_n3A_214 = arith.select %eq3A_211, %broadcast_in_dim3A_213, %select_n3A_208 : vector<16xi1>, vector<16xi32>
    %eq3A_215 = arith.constant 5 : i32
    %eq3A_216 = vector.broadcast %eq3A_215 : i32 to vector<16xi32>
    %eq3A_217 = arith.cmpi eq, %iota3A, %eq3A_216 : vector<16xi32>
    %jit3A_218 = arith.constant -1467649714 : i32
    %broadcast_in_dim3A_219 = vector.broadcast %jit3A_218 : i32 to vector<16xi32>
    %select_n3A_220 = arith.select %eq3A_217, %broadcast_in_dim3A_219, %select_n3A_214 : vector<16xi1>, vector<16xi32>
    %eq3A_221 = arith.constant 6 : i32
    %eq3A_222 = vector.broadcast %eq3A_221 : i32 to vector<16xi32>
    %eq3A_223 = arith.cmpi eq, %iota3A, %eq3A_222 : vector<16xi32>
    %jit3A_224 = arith.constant -1366591660 : i32
    %broadcast_in_dim3A_225 = vector.broadcast %jit3A_224 : i32 to vector<16xi32>
    %select_n3A_226 = arith.select %eq3A_223, %broadcast_in_dim3A_225, %select_n3A_220 : vector<16xi1>, vector<16xi32>
    %eq3A_227 = arith.constant 7 : i32
    %eq3A_228 = vector.broadcast %eq3A_227 : i32 to vector<16xi32>
    %eq3A_229 = arith.cmpi eq, %iota3A, %eq3A_228 : vector<16xi32>
    %jit3A_230 = arith.constant -590890859 : i32
    %broadcast_in_dim3A_231 = vector.broadcast %jit3A_230 : i32 to vector<16xi32>
    %select_n3A_232 = arith.select %eq3A_229, %broadcast_in_dim3A_231, %select_n3A_226 : vector<16xi1>, vector<16xi32>
    %eq3A_233 = arith.constant 8 : i32
    %eq3A_234 = vector.broadcast %eq3A_233 : i32 to vector<16xi32>
    %eq3A_235 = arith.cmpi eq, %iota3A, %eq3A_234 : vector<16xi32>
    %jit3A_236 = arith.constant 1766209314 : i32
    %broadcast_in_dim3A_237 = vector.broadcast %jit3A_236 : i32 to vector<16xi32>
    %select_n3A_238 = arith.select %eq3A_235, %broadcast_in_dim3A_237, %select_n3A_232 : vector<16xi1>, vector<16xi32>
    %eq3A_239 = arith.constant 9 : i32
    %eq3A_240 = vector.broadcast %eq3A_239 : i32 to vector<16xi32>
    %eq3A_241 = arith.cmpi eq, %iota3A, %eq3A_240 : vector<16xi32>
    %jit3A_242 = arith.constant -1433963696 : i32
    %broadcast_in_dim3A_243 = vector.broadcast %jit3A_242 : i32 to vector<16xi32>
    %select_n3A_244 = arith.select %eq3A_241, %broadcast_in_dim3A_243, %select_n3A_238 : vector<16xi1>, vector<16xi32>
    %eq3A_245 = arith.constant 10 : i32
    %eq3A_246 = vector.broadcast %eq3A_245 : i32 to vector<16xi32>
    %eq3A_247 = arith.cmpi eq, %iota3A, %eq3A_246 : vector<16xi32>
    %jit3A_248 = arith.constant -1332905642 : i32
    %broadcast_in_dim3A_249 = vector.broadcast %jit3A_248 : i32 to vector<16xi32>
    %select_n3A_250 = arith.select %eq3A_247, %broadcast_in_dim3A_249, %select_n3A_244 : vector<16xi1>, vector<16xi32>
    %eq3A_251 = arith.constant 11 : i32
    %eq3A_252 = vector.broadcast %eq3A_251 : i32 to vector<16xi32>
    %eq3A_253 = arith.cmpi eq, %iota3A, %eq3A_252 : vector<16xi32>
    %jit3A_254 = arith.constant -557204841 : i32
    %broadcast_in_dim3A_255 = vector.broadcast %jit3A_254 : i32 to vector<16xi32>
    %select_n3A_256 = arith.select %eq3A_253, %broadcast_in_dim3A_255, %select_n3A_250 : vector<16xi1>, vector<16xi32>
    %eq3A_257 = arith.constant 12 : i32
    %eq3A_258 = vector.broadcast %eq3A_257 : i32 to vector<16xi32>
    %eq3A_259 = arith.cmpi eq, %iota3A, %eq3A_258 : vector<16xi32>
    %jit3A_260 = arith.constant -1282376615 : i32
    %broadcast_in_dim3A_261 = vector.broadcast %jit3A_260 : i32 to vector<16xi32>
    %select_n3A_262 = arith.select %eq3A_259, %broadcast_in_dim3A_261, %select_n3A_256 : vector<16xi1>, vector<16xi32>
    %eq3A_263 = arith.constant 13 : i32
    %eq3A_264 = vector.broadcast %eq3A_263 : i32 to vector<16xi32>
    %eq3A_265 = arith.cmpi eq, %iota3A, %eq3A_264 : vector<16xi32>
    %jit3A_266 = arith.constant -506675814 : i32
    %broadcast_in_dim3A_267 = vector.broadcast %jit3A_266 : i32 to vector<16xi32>
    %select_n3A_268 = arith.select %eq3A_265, %broadcast_in_dim3A_267, %select_n3A_262 : vector<16xi1>, vector<16xi32>
    %eq3A_269 = arith.constant 14 : i32
    %eq3A_270 = vector.broadcast %eq3A_269 : i32 to vector<16xi32>
    %eq3A_271 = arith.cmpi eq, %iota3A, %eq3A_270 : vector<16xi32>
    %jit3A_272 = arith.constant -439303778 : i32
    %broadcast_in_dim3A_273 = vector.broadcast %jit3A_272 : i32 to vector<16xi32>
    %select_n3A_274 = arith.select %eq3A_271, %broadcast_in_dim3A_273, %select_n3A_268 : vector<16xi1>, vector<16xi32>
    %eq3A_275 = arith.constant 15 : i32
    %eq3A_276 = vector.broadcast %eq3A_275 : i32 to vector<16xi32>
    %eq3A_277 = arith.cmpi eq, %iota3A, %eq3A_276 : vector<16xi32>
    %jit3A_278 = arith.constant -135206187 : i32
    %broadcast_in_dim3A_279 = vector.broadcast %jit3A_278 : i32 to vector<16xi32>
    %select_n3A_280 = arith.select %eq3A_277, %broadcast_in_dim3A_279, %select_n3A_274 : vector<16xi1>, vector<16xi32>
    %swap3A_281 = arith.constant 32 : index
    %swap3A_282 = tpu.vector_load %arg8[%swap3A_281] {strides = array<i32>} : memref<64xi32, #tpu.memory_space<vmem>>, vector<16xi32>,
    tpu.vector_store %arg8[%swap3A_281], %select_n3A_280 {strides = array<i32>} : memref<64xi32, #tpu.memory_space<vmem>>, vector<16xi32>,
    %broadcast_in_dim3A_283 = arith.constant 1783052323 : i32
    %broadcast_in_dim3A_284 = vector.broadcast %broadcast_in_dim3A_283 : i32 to vector<16xi32>
    %eq3A_285 = arith.constant 1 : i32
    %eq3A_286 = vector.broadcast %eq3A_285 : i32 to vector<16xi32>
    %eq3A_287 = arith.cmpi eq, %iota3A, %eq3A_286 : vector<16xi32>
    %jit3A_288 = arith.constant -1417120687 : i32
    %broadcast_in_dim3A_289 = vector.broadcast %jit3A_288 : i32 to vector<16xi32>
    %select_n3A_290 = arith.select %eq3A_287, %broadcast_in_dim3A_289, %broadcast_in_dim3A_284 : vector<16xi1>, vector<16xi32>
    %eq3A_291 = arith.constant 2 : i32
    %eq3A_292 = vector.broadcast %eq3A_291 : i32 to vector<16xi32>
    %eq3A_293 = arith.cmpi eq, %iota3A, %eq3A_292 : vector<16xi32>
    %jit3A_294 = arith.constant -1316062633 : i32
    %broadcast_in_dim3A_295 = vector.broadcast %jit3A_294 : i32 to vector<16xi32>
    %select_n3A_296 = arith.select %eq3A_293, %broadcast_in_dim3A_295, %select_n3A_290 : vector<16xi1>, vector<16xi32>
    %eq3A_297 = arith.constant 3 : i32
    %eq3A_298 = vector.broadcast %eq3A_297 : i32 to vector<16xi32>
    %eq3A_299 = arith.cmpi eq, %iota3A, %eq3A_298 : vector<16xi32>
    %jit3A_300 = arith.constant -540361832 : i32
    %broadcast_in_dim3A_301 = vector.broadcast %jit3A_300 : i32 to vector<16xi32>
    %select_n3A_302 = arith.select %eq3A_299, %broadcast_in_dim3A_301, %select_n3A_296 : vector<16xi1>, vector<16xi32>
    %eq3A_303 = arith.constant 4 : i32
    %eq3A_304 = vector.broadcast %eq3A_303 : i32 to vector<16xi32>
    %eq3A_305 = arith.cmpi eq, %iota3A, %eq3A_304 : vector<16xi32>
    %jit3A_306 = arith.constant -1265533606 : i32
    %broadcast_in_dim3A_307 = vector.broadcast %jit3A_306 : i32 to vector<16xi32>
    %select_n3A_308 = arith.select %eq3A_305, %broadcast_in_dim3A_307, %select_n3A_302 : vector<16xi1>, vector<16xi32>
    %eq3A_309 = arith.constant 5 : i32
    %eq3A_310 = vector.broadcast %eq3A_309 : i32 to vector<16xi32>
    %eq3A_311 = arith.cmpi eq, %iota3A, %eq3A_310 : vector<16xi32>
    %jit3A_312 = arith.constant -489832805 : i32
    %broadcast_in_dim3A_313 = vector.broadcast %jit3A_312 : i32 to vector<16xi32>
    %select_n3A_314 = arith.select %eq3A_311, %broadcast_in_dim3A_313, %select_n3A_308 : vector<16xi1>, vector<16xi32>
    %eq3A_315 = arith.constant 6 : i32
    %eq3A_316 = vector.broadcast %eq3A_315 : i32 to vector<16xi32>
    %eq3A_317 = arith.cmpi eq, %iota3A, %eq3A_316 : vector<16xi32>
    %jit3A_318 = arith.constant -422460769 : i32
    %broadcast_in_dim3A_319 = vector.broadcast %jit3A_318 : i32 to vector<16xi32>
    %select_n3A_320 = arith.select %eq3A_317, %broadcast_in_dim3A_319, %select_n3A_314 : vector<16xi1>, vector<16xi32>
    %eq3A_321 = arith.constant 7 : i32
    %eq3A_322 = vector.broadcast %eq3A_321 : i32 to vector<16xi32>
    %eq3A_323 = arith.cmpi eq, %iota3A, %eq3A_322 : vector<16xi32>
    %jit3A_324 = arith.constant -118363178 : i32
    %broadcast_in_dim3A_325 = vector.broadcast %jit3A_324 : i32 to vector<16xi32>
    %select_n3A_326 = arith.select %eq3A_323, %broadcast_in_dim3A_325, %select_n3A_320 : vector<16xi1>, vector<16xi32>
    %eq3A_327 = arith.constant 8 : i32
    %eq3A_328 = vector.broadcast %eq3A_327 : i32 to vector<16xi32>
    %eq3A_329 = arith.cmpi eq, %iota3A, %eq3A_328 : vector<16xi32>
    %jit3A_330 = arith.constant -1248690597 : i32
    %broadcast_in_dim3A_331 = vector.broadcast %jit3A_330 : i32 to vector<16xi32>
    %select_n3A_332 = arith.select %eq3A_329, %broadcast_in_dim3A_331, %select_n3A_326 : vector<16xi1>, vector<16xi32>
    %eq3A_333 = arith.constant 9 : i32
    %eq3A_334 = vector.broadcast %eq3A_333 : i32 to vector<16xi32>
    %eq3A_335 = arith.cmpi eq, %iota3A, %eq3A_334 : vector<16xi32>
    %jit3A_336 = arith.constant -472989796 : i32
    %broadcast_in_dim3A_337 = vector.broadcast %jit3A_336 : i32 to vector<16xi32>
    %select_n3A_338 = arith.select %eq3A_335, %broadcast_in_dim3A_337, %select_n3A_332 : vector<16xi1>, vector<16xi32>
    %eq3A_339 = arith.constant 10 : i32
    %eq3A_340 = vector.broadcast %eq3A_339 : i32 to vector<16xi32>
    %eq3A_341 = arith.cmpi eq, %iota3A, %eq3A_340 : vector<16xi32>
    %jit3A_342 = arith.constant -405617760 : i32
    %broadcast_in_dim3A_343 = vector.broadcast %jit3A_342 : i32 to vector<16xi32>
    %select_n3A_344 = arith.select %eq3A_341, %broadcast_in_dim3A_343, %select_n3A_338 : vector<16xi1>, vector<16xi32>
    %eq3A_345 = arith.constant 11 : i32
    %eq3A_346 = vector.broadcast %eq3A_345 : i32 to vector<16xi32>
    %eq3A_347 = arith.cmpi eq, %iota3A, %eq3A_346 : vector<16xi32>
    %jit3A_348 = arith.constant -101520169 : i32
    %broadcast_in_dim3A_349 = vector.broadcast %jit3A_348 : i32 to vector<16xi32>
    %select_n3A_350 = arith.select %eq3A_347, %broadcast_in_dim3A_349, %select_n3A_344 : vector<16xi1>, vector<16xi32>
    %eq3A_351 = arith.constant 12 : i32
    %eq3A_352 = vector.broadcast %eq3A_351 : i32 to vector<16xi32>
    %eq3A_353 = arith.cmpi eq, %iota3A, %eq3A_352 : vector<16xi32>
    %jit3A_354 = arith.constant -388774751 : i32
    %broadcast_in_dim3A_355 = vector.broadcast %jit3A_354 : i32 to vector<16xi32>
    %select_n3A_356 = arith.select %eq3A_353, %broadcast_in_dim3A_355, %select_n3A_350 : vector<16xi1>, vector<16xi32>
    %eq3A_357 = arith.constant 13 : i32
    %eq3A_358 = vector.broadcast %eq3A_357 : i32 to vector<16xi32>
    %eq3A_359 = arith.cmpi eq, %iota3A, %eq3A_358 : vector<16xi32>
    %jit3A_360 = arith.constant -84677160 : i32
    %broadcast_in_dim3A_361 = vector.broadcast %jit3A_360 : i32 to vector<16xi32>
    %select_n3A_362 = arith.select %eq3A_359, %broadcast_in_dim3A_361, %select_n3A_356 : vector<16xi1>, vector<16xi32>
    %eq3A_363 = arith.constant 14 : i32
    %eq3A_364 = vector.broadcast %eq3A_363 : i32 to vector<16xi32>
    %eq3A_365 = arith.cmpi eq, %iota3A, %eq3A_364 : vector<16xi32>
    %jit3A_366 = arith.constant -67834151 : i32
    %broadcast_in_dim3A_367 = vector.broadcast %jit3A_366 : i32 to vector<16xi32>
    %select_n3A_368 = arith.select %eq3A_365, %broadcast_in_dim3A_367, %select_n3A_362 : vector<16xi1>, vector<16xi32>
    %eq3A_369 = arith.constant 15 : i32
    %eq3A_370 = vector.broadcast %eq3A_369 : i32 to vector<16xi32>
    %eq3A_371 = arith.cmpi eq, %iota3A, %eq3A_370 : vector<16xi32>
    %jit3A_372 = arith.constant -16909067 : i32
    %broadcast_in_dim3A_373 = vector.broadcast %jit3A_372 : i32 to vector<16xi32>
    %select_n3A_374 = arith.select %eq3A_371, %broadcast_in_dim3A_373, %select_n3A_368 : vector<16xi1>, vector<16xi32>
    %swap3A_375 = arith.constant 48 : index
    %swap3A_376 = tpu.vector_load %arg8[%swap3A_375] {strides = array<i32>} : memref<64xi32, #tpu.memory_space<vmem>>, vector<16xi32>,
    tpu.vector_store %arg8[%swap3A_375], %select_n3A_374 {strides = array<i32>} : memref<64xi32, #tpu.memory_space<vmem>>, vector<16xi32>,
    %and3A = arith.constant 3 : i32
    %and3A_377 = vector.broadcast %and3A : i32 to vector<16xi32>
    %and3A_378 = arith.andi %iota3A, %and3A_377 : vector<16xi32>
    %mul3A_379 = arith.constant 8 : i32
    %mul3A_380 = vector.broadcast %mul3A_379 : i32 to vector<16xi32>
    %mul3A_381 = arith.muli %and3A_378, %mul3A_380 : vector<16xi32>
    %shift_right_arithmetic3A = arith.constant 2 : i32
    %shift_right_arithmetic3A_382 = vector.broadcast %shift_right_arithmetic3A : i32 to vector<16xi32>
    %shift_right_arithmetic3A_383 = arith.shrsi %iota3A, %shift_right_arithmetic3A_382 : vector<16xi32>
    %add3A_384 = arith.constant 0 : i32
    %add3A_385 = vector.broadcast %add3A_384 : i32 to vector<16xi32>
    %add3A_386 = arith.addi %shift_right_arithmetic3A_383, %add3A_385 : vector<16xi32>
    %gather3A = tpu.vector_load_idx %arg8[%add3A_386] : memref<64xi32, #tpu.memory_space<vmem>>[vector<16xi32>], vector<16xi32>,
    %shift_right_arithmetic3A_387 = arith.shrsi %gather3A, %mul3A_381 : vector<16xi32>
    %and3A_388 = arith.constant 255 : i32
    %and3A_389 = vector.broadcast %and3A_388 : i32 to vector<16xi32>
    %and3A_390 = arith.andi %shift_right_arithmetic3A_387, %and3A_389 : vector<16xi32>
    %gather3A_391 = tpu.vector_load_idx %arg6[%and3A_390] : memref<256xf32, #tpu.memory_space<vmem>>[vector<16xi32>], vector<16xf32>,
    %swap3A_392 = arith.constant 0 : index
    %swap3A_393 = tpu.vector_load %arg7[%swap3A_392] {strides = array<i32>} : memref<256xf32, #tpu.memory_space<vmem>>, vector<16xf32>,
    tpu.vector_store %arg7[%swap3A_392], %gather3A_391 {strides = array<i32>} : memref<256xf32, #tpu.memory_space<vmem>>, vector<16xf32>,
    %shift_right_arithmetic3A_394 = arith.constant 2 : i32
    %shift_right_arithmetic3A_395 = vector.broadcast %shift_right_arithmetic3A_394 : i32 to vector<16xi32>
    %shift_right_arithmetic3A_396 = arith.shrsi %iota3A, %shift_right_arithmetic3A_395 : vector<16xi32>
    %add3A_397 = arith.constant 4 : i32
    %add3A_398 = vector.broadcast %add3A_397 : i32 to vector<16xi32>
    %add3A_399 = arith.addi %shift_right_arithmetic3A_396, %add3A_398 : vector<16xi32>
    %gather3A_400 = tpu.vector_load_idx %arg8[%add3A_399] : memref<64xi32, #tpu.memory_space<vmem>>[vector<16xi32>], vector<16xi32>,
    %shift_right_arithmetic3A_401 = arith.shrsi %gather3A_400, %mul3A_381 : vector<16xi32>
    %and3A_402 = arith.constant 255 : i32
    %and3A_403 = vector.broadcast %and3A_402 : i32 to vector<16xi32>
    %and3A_404 = arith.andi %shift_right_arithmetic3A_401, %and3A_403 : vector<16xi32>
    %gather3A_405 = tpu.vector_load_idx %arg6[%and3A_404] : memref<256xf32, #tpu.memory_space<vmem>>[vector<16xi32>], vector<16xf32>,
    %swap3A_406 = arith.constant 16 : index
    %swap3A_407 = tpu.vector_load %arg7[%swap3A_406] {strides = array<i32>} : memref<256xf32, #tpu.memory_space<vmem>>, vector<16xf32>,
    tpu.vector_store %arg7[%swap3A_406], %gather3A_405 {strides = array<i32>} : memref<256xf32, #tpu.memory_space<vmem>>, vector<16xf32>,
    %shift_right_arithmetic3A_408 = arith.constant 2 : i32
    %shift_right_arithmetic3A_409 = vector.broadcast %shift_right_arithmetic3A_408 : i32 to vector<16xi32>
    %shift_right_arithmetic3A_410 = arith.shrsi %iota3A, %shift_right_arithmetic3A_409 : vector<16xi32>
    %add3A_411 = arith.constant 8 : i32
    %add3A_412 = vector.broadcast %add3A_411 : i32 to vector<16xi32>
    %add3A_413 = arith.addi %shift_right_arithmetic3A_410, %add3A_412 : vector<16xi32>
    %gather3A_414 = tpu.vector_load_idx %arg8[%add3A_413] : memref<64xi32, #tpu.memory_space<vmem>>[vector<16xi32>], vector<16xi32>,
    %shift_right_arithmetic3A_415 = arith.shrsi %gather3A_414, %mul3A_381 : vector<16xi32>
    %and3A_416 = arith.constant 255 : i32
    %and3A_417 = vector.broadcast %and3A_416 : i32 to vector<16xi32>
    %and3A_418 = arith.andi %shift_right_arithmetic3A_415, %and3A_417 : vector<16xi32>
    %gather3A_419 = tpu.vector_load_idx %arg6[%and3A_418] : memref<256xf32, #tpu.memory_space<vmem>>[vector<16xi32>], vector<16xf32>,
    %swap3A_420 = arith.constant 32 : index
    %swap3A_421 = tpu.vector_load %arg7[%swap3A_420] {strides = array<i32>} : memref<256xf32, #tpu.memory_space<vmem>>, vector<16xf32>,
    tpu.vector_store %arg7[%swap3A_420], %gather3A_419 {strides = array<i32>} : memref<256xf32, #tpu.memory_space<vmem>>, vector<16xf32>,
    %shift_right_arithmetic3A_422 = arith.constant 2 : i32
    %shift_right_arithmetic3A_423 = vector.broadcast %shift_right_arithmetic3A_422 : i32 to vector<16xi32>
    %shift_right_arithmetic3A_424 = arith.shrsi %iota3A, %shift_right_arithmetic3A_423 : vector<16xi32>
    %add3A_425 = arith.constant 12 : i32
    %add3A_426 = vector.broadcast %add3A_425 : i32 to vector<16xi32>
    %add3A_427 = arith.addi %shift_right_arithmetic3A_424, %add3A_426 : vector<16xi32>
    %gather3A_428 = tpu.vector_load_idx %arg8[%add3A_427] : memref<64xi32, #tpu.memory_space<vmem>>[vector<16xi32>], vector<16xi32>,
    %shift_right_arithmetic3A_429 = arith.shrsi %gather3A_428, %mul3A_381 : vector<16xi32>
    %and3A_430 = arith.constant 255 : i32
    %and3A_431 = vector.broadcast %and3A_430 : i32 to vector<16xi32>
    %and3A_432 = arith.andi %shift_right_arithmetic3A_429, %and3A_431 : vector<16xi32>
    %gather3A_433 = tpu.vector_load_idx %arg6[%and3A_432] : memref<256xf32, #tpu.memory_space<vmem>>[vector<16xi32>], vector<16xf32>,
    %swap3A_434 = arith.constant 48 : index
    %swap3A_435 = tpu.vector_load %arg7[%swap3A_434] {strides = array<i32>} : memref<256xf32, #tpu.memory_space<vmem>>, vector<16xf32>,
    tpu.vector_store %arg7[%swap3A_434], %gather3A_433 {strides = array<i32>} : memref<256xf32, #tpu.memory_space<vmem>>, vector<16xf32>,
    %shift_right_arithmetic3A_436 = arith.constant 2 : i32
    %shift_right_arithmetic3A_437 = vector.broadcast %shift_right_arithmetic3A_436 : i32 to vector<16xi32>
    %shift_right_arithmetic3A_438 = arith.shrsi %iota3A, %shift_right_arithmetic3A_437 : vector<16xi32>
    %add3A_439 = arith.constant 16 : i32
    %add3A_440 = vector.broadcast %add3A_439 : i32 to vector<16xi32>
    %add3A_441 = arith.addi %shift_right_arithmetic3A_438, %add3A_440 : vector<16xi32>
    %gather3A_442 = tpu.vector_load_idx %arg8[%add3A_441] : memref<64xi32, #tpu.memory_space<vmem>>[vector<16xi32>], vector<16xi32>,
    %shift_right_arithmetic3A_443 = arith.shrsi %gather3A_442, %mul3A_381 : vector<16xi32>
    %and3A_444 = arith.constant 255 : i32
    %and3A_445 = vector.broadcast %and3A_444 : i32 to vector<16xi32>
    %and3A_446 = arith.andi %shift_right_arithmetic3A_443, %and3A_445 : vector<16xi32>
    %gather3A_447 = tpu.vector_load_idx %arg6[%and3A_446] : memref<256xf32, #tpu.memory_space<vmem>>[vector<16xi32>], vector<16xf32>,
    %swap3A_448 = arith.constant 64 : index
    %swap3A_449 = tpu.vector_load %arg7[%swap3A_448] {strides = array<i32>} : memref<256xf32, #tpu.memory_space<vmem>>, vector<16xf32>,
    tpu.vector_store %arg7[%swap3A_448], %gather3A_447 {strides = array<i32>} : memref<256xf32, #tpu.memory_space<vmem>>, vector<16xf32>,
    %shift_right_arithmetic3A_450 = arith.constant 2 : i32
    %shift_right_arithmetic3A_451 = vector.broadcast %shift_right_arithmetic3A_450 : i32 to vector<16xi32>
    %shift_right_arithmetic3A_452 = arith.shrsi %iota3A, %shift_right_arithmetic3A_451 : vector<16xi32>
    %add3A_453 = arith.constant 20 : i32
    %add3A_454 = vector.broadcast %add3A_453 : i32 to vector<16xi32>
    %add3A_455 = arith.addi %shift_right_arithmetic3A_452, %add3A_454 : vector<16xi32>
    %gather3A_456 = tpu.vector_load_idx %arg8[%add3A_455] : memref<64xi32, #tpu.memory_space<vmem>>[vector<16xi32>], vector<16xi32>,
    %shift_right_arithmetic3A_457 = arith.shrsi %gather3A_456, %mul3A_381 : vector<16xi32>
    %and3A_458 = arith.constant 255 : i32
    %and3A_459 = vector.broadcast %and3A_458 : i32 to vector<16xi32>
    %and3A_460 = arith.andi %shift_right_arithmetic3A_457, %and3A_459 : vector<16xi32>
    %gather3A_461 = tpu.vector_load_idx %arg6[%and3A_460] : memref<256xf32, #tpu.memory_space<vmem>>[vector<16xi32>], vector<16xf32>,
    %swap3A_462 = arith.constant 80 : index
    %swap3A_463 = tpu.vector_load %arg7[%swap3A_462] {strides = array<i32>} : memref<256xf32, #tpu.memory_space<vmem>>, vector<16xf32>,
    tpu.vector_store %arg7[%swap3A_462], %gather3A_461 {strides = array<i32>} : memref<256xf32, #tpu.memory_space<vmem>>, vector<16xf32>,
    %shift_right_arithmetic3A_464 = arith.constant 2 : i32
    %shift_right_arithmetic3A_465 = vector.broadcast %shift_right_arithmetic3A_464 : i32 to vector<16xi32>
    %shift_right_arithmetic3A_466 = arith.shrsi %iota3A, %shift_right_arithmetic3A_465 : vector<16xi32>
    %add3A_467 = arith.constant 24 : i32
    %add3A_468 = vector.broadcast %add3A_467 : i32 to vector<16xi32>
    %add3A_469 = arith.addi %shift_right_arithmetic3A_466, %add3A_468 : vector<16xi32>
    %gather3A_470 = tpu.vector_load_idx %arg8[%add3A_469] : memref<64xi32, #tpu.memory_space<vmem>>[vector<16xi32>], vector<16xi32>,
    %shift_right_arithmetic3A_471 = arith.shrsi %gather3A_470, %mul3A_381 : vector<16xi32>
    %and3A_472 = arith.constant 255 : i32
    %and3A_473 = vector.broadcast %and3A_472 : i32 to vector<16xi32>
    %and3A_474 = arith.andi %shift_right_arithmetic3A_471, %and3A_473 : vector<16xi32>
    %gather3A_475 = tpu.vector_load_idx %arg6[%and3A_474] : memref<256xf32, #tpu.memory_space<vmem>>[vector<16xi32>], vector<16xf32>,
    %swap3A_476 = arith.constant 96 : index
    %swap3A_477 = tpu.vector_load %arg7[%swap3A_476] {strides = array<i32>} : memref<256xf32, #tpu.memory_space<vmem>>, vector<16xf32>,
    tpu.vector_store %arg7[%swap3A_476], %gather3A_475 {strides = array<i32>} : memref<256xf32, #tpu.memory_space<vmem>>, vector<16xf32>,
    %shift_right_arithmetic3A_478 = arith.constant 2 : i32
    %shift_right_arithmetic3A_479 = vector.broadcast %shift_right_arithmetic3A_478 : i32 to vector<16xi32>
    %shift_right_arithmetic3A_480 = arith.shrsi %iota3A, %shift_right_arithmetic3A_479 : vector<16xi32>
    %add3A_481 = arith.constant 28 : i32
    %add3A_482 = vector.broadcast %add3A_481 : i32 to vector<16xi32>
    %add3A_483 = arith.addi %shift_right_arithmetic3A_480, %add3A_482 : vector<16xi32>
    %gather3A_484 = tpu.vector_load_idx %arg8[%add3A_483] : memref<64xi32, #tpu.memory_space<vmem>>[vector<16xi32>], vector<16xi32>,
    %shift_right_arithmetic3A_485 = arith.shrsi %gather3A_484, %mul3A_381 : vector<16xi32>
    %and3A_486 = arith.constant 255 : i32
    %and3A_487 = vector.broadcast %and3A_486 : i32 to vector<16xi32>
    %and3A_488 = arith.andi %shift_right_arithmetic3A_485, %and3A_487 : vector<16xi32>
    %gather3A_489 = tpu.vector_load_idx %arg6[%and3A_488] : memref<256xf32, #tpu.memory_space<vmem>>[vector<16xi32>], vector<16xf32>,
    %swap3A_490 = arith.constant 112 : index
    %swap3A_491 = tpu.vector_load %arg7[%swap3A_490] {strides = array<i32>} : memref<256xf32, #tpu.memory_space<vmem>>, vector<16xf32>,
    tpu.vector_store %arg7[%swap3A_490], %gather3A_489 {strides = array<i32>} : memref<256xf32, #tpu.memory_space<vmem>>, vector<16xf32>,
    %shift_right_arithmetic3A_492 = arith.constant 2 : i32
    %shift_right_arithmetic3A_493 = vector.broadcast %shift_right_arithmetic3A_492 : i32 to vector<16xi32>
    %shift_right_arithmetic3A_494 = arith.shrsi %iota3A, %shift_right_arithmetic3A_493 : vector<16xi32>
    %add3A_495 = arith.constant 32 : i32
    %add3A_496 = vector.broadcast %add3A_495 : i32 to vector<16xi32>
    %add3A_497 = arith.addi %shift_right_arithmetic3A_494, %add3A_496 : vector<16xi32>
    %gather3A_498 = tpu.vector_load_idx %arg8[%add3A_497] : memref<64xi32, #tpu.memory_space<vmem>>[vector<16xi32>], vector<16xi32>,
    %shift_right_arithmetic3A_499 = arith.shrsi %gather3A_498, %mul3A_381 : vector<16xi32>
    %and3A_500 = arith.constant 255 : i32
    %and3A_501 = vector.broadcast %and3A_500 : i32 to vector<16xi32>
    %and3A_502 = arith.andi %shift_right_arithmetic3A_499, %and3A_501 : vector<16xi32>
    %gather3A_503 = tpu.vector_load_idx %arg6[%and3A_502] : memref<256xf32, #tpu.memory_space<vmem>>[vector<16xi32>], vector<16xf32>,
    %swap3A_504 = arith.constant 128 : index
    %swap3A_505 = tpu.vector_load %arg7[%swap3A_504] {strides = array<i32>} : memref<256xf32, #tpu.memory_space<vmem>>, vector<16xf32>,
    tpu.vector_store %arg7[%swap3A_504], %gather3A_503 {strides = array<i32>} : memref<256xf32, #tpu.memory_space<vmem>>, vector<16xf32>,
    %shift_right_arithmetic3A_506 = arith.constant 2 : i32
    %shift_right_arithmetic3A_507 = vector.broadcast %shift_right_arithmetic3A_506 : i32 to vector<16xi32>
    %shift_right_arithmetic3A_508 = arith.shrsi %iota3A, %shift_right_arithmetic3A_507 : vector<16xi32>
    %add3A_509 = arith.constant 36 : i32
    %add3A_510 = vector.broadcast %add3A_509 : i32 to vector<16xi32>
    %add3A_511 = arith.addi %shift_right_arithmetic3A_508, %add3A_510 : vector<16xi32>
    %gather3A_512 = tpu.vector_load_idx %arg8[%add3A_511] : memref<64xi32, #tpu.memory_space<vmem>>[vector<16xi32>], vector<16xi32>,
    %shift_right_arithmetic3A_513 = arith.shrsi %gather3A_512, %mul3A_381 : vector<16xi32>
    %and3A_514 = arith.constant 255 : i32
    %and3A_515 = vector.broadcast %and3A_514 : i32 to vector<16xi32>
    %and3A_516 = arith.andi %shift_right_arithmetic3A_513, %and3A_515 : vector<16xi32>
    %gather3A_517 = tpu.vector_load_idx %arg6[%and3A_516] : memref<256xf32, #tpu.memory_space<vmem>>[vector<16xi32>], vector<16xf32>,
    %swap3A_518 = arith.constant 144 : index
    %swap3A_519 = tpu.vector_load %arg7[%swap3A_518] {strides = array<i32>} : memref<256xf32, #tpu.memory_space<vmem>>, vector<16xf32>,
    tpu.vector_store %arg7[%swap3A_518], %gather3A_517 {strides = array<i32>} : memref<256xf32, #tpu.memory_space<vmem>>, vector<16xf32>,
    %shift_right_arithmetic3A_520 = arith.constant 2 : i32
    %shift_right_arithmetic3A_521 = vector.broadcast %shift_right_arithmetic3A_520 : i32 to vector<16xi32>
    %shift_right_arithmetic3A_522 = arith.shrsi %iota3A, %shift_right_arithmetic3A_521 : vector<16xi32>
    %add3A_523 = arith.constant 40 : i32
    %add3A_524 = vector.broadcast %add3A_523 : i32 to vector<16xi32>
    %add3A_525 = arith.addi %shift_right_arithmetic3A_522, %add3A_524 : vector<16xi32>
    %gather3A_526 = tpu.vector_load_idx %arg8[%add3A_525] : memref<64xi32, #tpu.memory_space<vmem>>[vector<16xi32>], vector<16xi32>,
    %shift_right_arithmetic3A_527 = arith.shrsi %gather3A_526, %mul3A_381 : vector<16xi32>
    %and3A_528 = arith.constant 255 : i32
    %and3A_529 = vector.broadcast %and3A_528 : i32 to vector<16xi32>
    %and3A_530 = arith.andi %shift_right_arithmetic3A_527, %and3A_529 : vector<16xi32>
    %gather3A_531 = tpu.vector_load_idx %arg6[%and3A_530] : memref<256xf32, #tpu.memory_space<vmem>>[vector<16xi32>], vector<16xf32>,
    %swap3A_532 = arith.constant 160 : index
    %swap3A_533 = tpu.vector_load %arg7[%swap3A_532] {strides = array<i32>} : memref<256xf32, #tpu.memory_space<vmem>>, vector<16xf32>,
    tpu.vector_store %arg7[%swap3A_532], %gather3A_531 {strides = array<i32>} : memref<256xf32, #tpu.memory_space<vmem>>, vector<16xf32>,
    %shift_right_arithmetic3A_534 = arith.constant 2 : i32
    %shift_right_arithmetic3A_535 = vector.broadcast %shift_right_arithmetic3A_534 : i32 to vector<16xi32>
    %shift_right_arithmetic3A_536 = arith.shrsi %iota3A, %shift_right_arithmetic3A_535 : vector<16xi32>
    %add3A_537 = arith.constant 44 : i32
    %add3A_538 = vector.broadcast %add3A_537 : i32 to vector<16xi32>
    %add3A_539 = arith.addi %shift_right_arithmetic3A_536, %add3A_538 : vector<16xi32>
    %gather3A_540 = tpu.vector_load_idx %arg8[%add3A_539] : memref<64xi32, #tpu.memory_space<vmem>>[vector<16xi32>], vector<16xi32>,
    %shift_right_arithmetic3A_541 = arith.shrsi %gather3A_540, %mul3A_381 : vector<16xi32>
    %and3A_542 = arith.constant 255 : i32
    %and3A_543 = vector.broadcast %and3A_542 : i32 to vector<16xi32>
    %and3A_544 = arith.andi %shift_right_arithmetic3A_541, %and3A_543 : vector<16xi32>
    %gather3A_545 = tpu.vector_load_idx %arg6[%and3A_544] : memref<256xf32, #tpu.memory_space<vmem>>[vector<16xi32>], vector<16xf32>,
    %swap3A_546 = arith.constant 176 : index
    %swap3A_547 = tpu.vector_load %arg7[%swap3A_546] {strides = array<i32>} : memref<256xf32, #tpu.memory_space<vmem>>, vector<16xf32>,
    tpu.vector_store %arg7[%swap3A_546], %gather3A_545 {strides = array<i32>} : memref<256xf32, #tpu.memory_space<vmem>>, vector<16xf32>,
    %shift_right_arithmetic3A_548 = arith.constant 2 : i32
    %shift_right_arithmetic3A_549 = vector.broadcast %shift_right_arithmetic3A_548 : i32 to vector<16xi32>
    %shift_right_arithmetic3A_550 = arith.shrsi %iota3A, %shift_right_arithmetic3A_549 : vector<16xi32>
    %add3A_551 = arith.constant 48 : i32
    %add3A_552 = vector.broadcast %add3A_551 : i32 to vector<16xi32>
    %add3A_553 = arith.addi %shift_right_arithmetic3A_550, %add3A_552 : vector<16xi32>
    %gather3A_554 = tpu.vector_load_idx %arg8[%add3A_553] : memref<64xi32, #tpu.memory_space<vmem>>[vector<16xi32>], vector<16xi32>,
    %shift_right_arithmetic3A_555 = arith.shrsi %gather3A_554, %mul3A_381 : vector<16xi32>
    %and3A_556 = arith.constant 255 : i32
    %and3A_557 = vector.broadcast %and3A_556 : i32 to vector<16xi32>
    %and3A_558 = arith.andi %shift_right_arithmetic3A_555, %and3A_557 : vector<16xi32>
    %gather3A_559 = tpu.vector_load_idx %arg6[%and3A_558] : memref<256xf32, #tpu.memory_space<vmem>>[vector<16xi32>], vector<16xf32>,
    %swap3A_560 = arith.constant 192 : index
    %swap3A_561 = tpu.vector_load %arg7[%swap3A_560] {strides = array<i32>} : memref<256xf32, #tpu.memory_space<vmem>>, vector<16xf32>,
    tpu.vector_store %arg7[%swap3A_560], %gather3A_559 {strides = array<i32>} : memref<256xf32, #tpu.memory_space<vmem>>, vector<16xf32>,
    %shift_right_arithmetic3A_562 = arith.constant 2 : i32
    %shift_right_arithmetic3A_563 = vector.broadcast %shift_right_arithmetic3A_562 : i32 to vector<16xi32>
    %shift_right_arithmetic3A_564 = arith.shrsi %iota3A, %shift_right_arithmetic3A_563 : vector<16xi32>
    %add3A_565 = arith.constant 52 : i32
    %add3A_566 = vector.broadcast %add3A_565 : i32 to vector<16xi32>
    %add3A_567 = arith.addi %shift_right_arithmetic3A_564, %add3A_566 : vector<16xi32>
    %gather3A_568 = tpu.vector_load_idx %arg8[%add3A_567] : memref<64xi32, #tpu.memory_space<vmem>>[vector<16xi32>], vector<16xi32>,
    %shift_right_arithmetic3A_569 = arith.shrsi %gather3A_568, %mul3A_381 : vector<16xi32>
    %and3A_570 = arith.constant 255 : i32
    %and3A_571 = vector.broadcast %and3A_570 : i32 to vector<16xi32>
    %and3A_572 = arith.andi %shift_right_arithmetic3A_569, %and3A_571 : vector<16xi32>
    %gather3A_573 = tpu.vector_load_idx %arg6[%and3A_572] : memref<256xf32, #tpu.memory_space<vmem>>[vector<16xi32>], vector<16xf32>,
    %swap3A_574 = arith.constant 208 : index
    %swap3A_575 = tpu.vector_load %arg7[%swap3A_574] {strides = array<i32>} : memref<256xf32, #tpu.memory_space<vmem>>, vector<16xf32>,
    tpu.vector_store %arg7[%swap3A_574], %gather3A_573 {strides = array<i32>} : memref<256xf32, #tpu.memory_space<vmem>>, vector<16xf32>,
    %shift_right_arithmetic3A_576 = arith.constant 2 : i32
    %shift_right_arithmetic3A_577 = vector.broadcast %shift_right_arithmetic3A_576 : i32 to vector<16xi32>
    %shift_right_arithmetic3A_578 = arith.shrsi %iota3A, %shift_right_arithmetic3A_577 : vector<16xi32>
    %add3A_579 = arith.constant 56 : i32
    %add3A_580 = vector.broadcast %add3A_579 : i32 to vector<16xi32>
    %add3A_581 = arith.addi %shift_right_arithmetic3A_578, %add3A_580 : vector<16xi32>
    %gather3A_582 = tpu.vector_load_idx %arg8[%add3A_581] : memref<64xi32, #tpu.memory_space<vmem>>[vector<16xi32>], vector<16xi32>,
    %shift_right_arithmetic3A_583 = arith.shrsi %gather3A_582, %mul3A_381 : vector<16xi32>
    %and3A_584 = arith.constant 255 : i32
    %and3A_585 = vector.broadcast %and3A_584 : i32 to vector<16xi32>
    %and3A_586 = arith.andi %shift_right_arithmetic3A_583, %and3A_585 : vector<16xi32>
    %gather3A_587 = tpu.vector_load_idx %arg6[%and3A_586] : memref<256xf32, #tpu.memory_space<vmem>>[vector<16xi32>], vector<16xf32>,
    %swap3A_588 = arith.constant 224 : index
    %swap3A_589 = tpu.vector_load %arg7[%swap3A_588] {strides = array<i32>} : memref<256xf32, #tpu.memory_space<vmem>>, vector<16xf32>,
    tpu.vector_store %arg7[%swap3A_588], %gather3A_587 {strides = array<i32>} : memref<256xf32, #tpu.memory_space<vmem>>, vector<16xf32>,
    %shift_right_arithmetic3A_590 = arith.constant 2 : i32
    %shift_right_arithmetic3A_591 = vector.broadcast %shift_right_arithmetic3A_590 : i32 to vector<16xi32>
    %shift_right_arithmetic3A_592 = arith.shrsi %iota3A, %shift_right_arithmetic3A_591 : vector<16xi32>
    %add3A_593 = arith.constant 60 : i32
    %add3A_594 = vector.broadcast %add3A_593 : i32 to vector<16xi32>
    %add3A_595 = arith.addi %shift_right_arithmetic3A_592, %add3A_594 : vector<16xi32>
    %gather3A_596 = tpu.vector_load_idx %arg8[%add3A_595] : memref<64xi32, #tpu.memory_space<vmem>>[vector<16xi32>], vector<16xi32>,
    %shift_right_arithmetic3A_597 = arith.shrsi %gather3A_596, %mul3A_381 : vector<16xi32>
    %and3A_598 = arith.constant 255 : i32
    %and3A_599 = vector.broadcast %and3A_598 : i32 to vector<16xi32>
    %and3A_600 = arith.andi %shift_right_arithmetic3A_597, %and3A_599 : vector<16xi32>
    %gather3A_601 = tpu.vector_load_idx %arg6[%and3A_600] : memref<256xf32, #tpu.memory_space<vmem>>[vector<16xi32>], vector<16xf32>,
    %swap3A_602 = arith.constant 240 : index
    %swap3A_603 = tpu.vector_load %arg7[%swap3A_602] {strides = array<i32>} : memref<256xf32, #tpu.memory_space<vmem>>, vector<16xf32>,
    tpu.vector_store %arg7[%swap3A_602], %gather3A_601 {strides = array<i32>} : memref<256xf32, #tpu.memory_space<vmem>>, vector<16xf32>,
    %get3A = arith.constant 0 : index
    %get3A_604 = tpu.vector_load %arg7[%get3A] {strides = array<i32>} : memref<256xf32, #tpu.memory_space<vmem>>, vector<16xf32>,
    %eq3A_605 = arith.constant 0 : i32
    %eq3A_606 = vector.broadcast %eq3A_605 : i32 to vector<16xi32>
    %eq3A_607 = arith.cmpi eq, %iota3A, %eq3A_606 : vector<16xi32>
    %jit3A_608 = arith.constant 0.000000e+00 : f32
    %broadcast_in_dim3A_609 = vector.broadcast %jit3A_608 : f32 to vector<16xf32>
    %select_n3A_610 = arith.select %eq3A_607, %broadcast_in_dim3A_609, %get3A_604 : vector<16xi1>, vector<16xf32>
    %swap3A_611 = arith.constant 0 : index
    %swap3A_612 = tpu.vector_load %arg7[%swap3A_611] {strides = array<i32>} : memref<256xf32, #tpu.memory_space<vmem>>, vector<16xf32>,
    tpu.vector_store %arg7[%swap3A_611], %select_n3A_610 {strides = array<i32>} : memref<256xf32, #tpu.memory_space<vmem>>, vector<16xf32>,
    %scan3A = arith.constant 0 : i32
    %scan3A_613 = arith.constant 0 : i32
    %scan3A_614 = arith.constant 64 : i32
    %scan3A_615 = arith.addi %scan3A_613, %scan3A_614 : i32
    %scan3A_616 = arith.constant 2 : i32
    scf.for %scan3A_946 = %scan3A_613 to %scan3A_615 step %scan3A_616  : i32 {
      %jit3A_947 = arith.constant 16 : i32
      %div3A = arith.divsi %scan3A_946, %jit3A_947 : i32
      %sign3A = arith.constant 0 : i32
      %sign3A_948 = arith.cmpi sgt, %scan3A_946, %sign3A : i32
      %sign3A_949 = arith.extui %sign3A_948 : i1 to i32
      %sign3A_950 = arith.constant 0 : i32
      %sign3A_951 = arith.cmpi slt, %scan3A_946, %sign3A_950 : i32
      %sign3A_952 = arith.extui %sign3A_951 : i1 to i32
      %sign3A_953 = arith.subi %sign3A_949, %sign3A_952 : i32
      %sign3A_954 = arith.constant 0 : i32
      %sign3A_955 = arith.cmpi sgt, %jit3A_947, %sign3A_954 : i32
      %sign3A_956 = arith.extui %sign3A_955 : i1 to i32
      %sign3A_957 = arith.constant 0 : i32
      %sign3A_958 = arith.cmpi slt, %jit3A_947, %sign3A_957 : i32
      %sign3A_959 = arith.extui %sign3A_958 : i1 to i32
      %sign3A_960 = arith.subi %sign3A_956, %sign3A_959 : i32
      %ne3A = arith.cmpi ne, %sign3A_953, %sign3A_960 : i32
      %rem3A = arith.remsi %scan3A_946, %jit3A_947 : i32
      %ne3A_961 = arith.constant 0 : i32
      %ne3A_962 = arith.cmpi ne, %rem3A, %ne3A_961 : i32
      %and3A_963 = arith.andi %ne3A, %ne3A_962 : i1
      %sub3A_964 = arith.constant 1 : i32
      %sub3A_965 = arith.subi %div3A, %sub3A_964 : i32
      %select_n3A_966 = arith.select %and3A_963, %sub3A_965, %div3A : i32
      %jit3A_967 = arith.constant 16 : i32
      %eq3A_968 = arith.constant 0 : i32
      %eq3A_969 = arith.cmpi eq, %jit3A_967, %eq3A_968 : i32
      %jit3A_970 = arith.constant 1 : i32
      %select_n3A_971 = arith.select %eq3A_969, %jit3A_970, %jit3A_967 : i32
      %rem3A_972 = arith.remsi %scan3A_946, %select_n3A_971 : i32
      %ne3A_973 = arith.constant 0 : i32
      %ne3A_974 = arith.cmpi ne, %rem3A_972, %ne3A_973 : i32
      %lt3A = arith.constant 0 : i32
      %lt3A_975 = arith.cmpi slt, %rem3A_972, %lt3A : i32
      %lt3A_976 = arith.constant 0 : i32
      %lt3A_977 = arith.cmpi slt, %select_n3A_971, %lt3A_976 : i32
      %ne3A_978 = arith.xori %lt3A_975, %lt3A_977 : i1
      %and3A_979 = arith.andi %ne3A_978, %ne3A_974 : i1
      %add3A_980 = arith.addi %rem3A_972, %select_n3A_971 : i32
      %select_n3A_981 = arith.select %and3A_979, %add3A_980, %rem3A_972 : i32
      %shift_left3A = arith.constant 1 : i32
      %shift_left3A_982 = arith.shli %shift_left3A, %select_n3A_966 : i32
      %shift_right_arithmetic3A_983 = vector.broadcast %select_n3A_966 : i32 to vector<16xi32>
      %shift_right_arithmetic3A_984 = arith.shrsi %iota3A, %shift_right_arithmetic3A_983 : vector<16xi32>
      %and3A_985 = arith.constant 1 : i32
      %and3A_986 = vector.broadcast %and3A_985 : i32 to vector<16xi32>
      %and3A_987 = arith.andi %shift_right_arithmetic3A_984, %and3A_986 : vector<16xi32>
      %mul3A_988 = arith.constant 2 : i32
      %mul3A_989 = vector.broadcast %mul3A_988 : i32 to vector<16xi32>
      %mul3A_990 = arith.muli %mul3A_989, %and3A_987 : vector<16xi32>
      %sub3A_991 = arith.constant 1 : i32
      %sub3A_992 = vector.broadcast %sub3A_991 : i32 to vector<16xi32>
      %sub3A_993 = arith.subi %sub3A_992, %mul3A_990 : vector<16xi32>
      %convert_element_type3A = arith.sitofp %sub3A_993 : vector<16xi32> to vector<16xf32>
      %xor3A = vector.broadcast %shift_left3A_982 : i32 to vector<16xi32>
      %xor3A_994 = arith.xori %iota3A, %xor3A : vector<16xi32>
      %mul3A_995 = arith.constant 16 : i32
      %mul3A_996 = arith.muli %select_n3A_981, %mul3A_995 : i32
      %add3A_997 = vector.broadcast %mul3A_996 : i32 to vector<16xi32>
      %add3A_998 = arith.addi %xor3A_994, %add3A_997 : vector<16xi32>
      %mul3A_999 = arith.constant 16 : i32
      %mul3A_1000 = arith.muli %select_n3A_981, %mul3A_999 : i32
      %get3A_1001 = arith.index_cast %mul3A_1000 : i32 to index
      %get3A_1002 = tpu.vector_load %arg7[%get3A_1001] {strides = array<i32>} : memref<256xf32, #tpu.memory_space<vmem>>, vector<16xf32>,
      %gather3A_1003 = tpu.vector_load_idx %arg7[%add3A_998] : memref<256xf32, #tpu.memory_space<vmem>>[vector<16xi32>], vector<16xf32>,
      %mul3A_1004 = arith.mulf %convert_element_type3A, %get3A_1002 : vector<16xf32>
      %add3A_1005 = arith.addf %gather3A_1003, %mul3A_1004 : vector<16xf32>
      %mul3A_1006 = arith.constant 16 : i32
      %mul3A_1007 = arith.muli %select_n3A_981, %mul3A_1006 : i32
      %swap3A_1008 = arith.index_cast %mul3A_1007 : i32 to index
      %swap3A_1009 = tpu.vector_load %arg7[%swap3A_1008] {strides = array<i32>} : memref<256xf32, #tpu.memory_space<vmem>>, vector<16xf32>,
      tpu.vector_store %arg7[%swap3A_1008], %add3A_1005 {strides = array<i32>} : memref<256xf32, #tpu.memory_space<vmem>>, vector<16xf32>,
      %scan3A_1010 = arith.constant 1 : i32
      %scan3A_1011 = arith.addi %scan3A_946, %scan3A_1010 : i32
      %jit3A_1012 = arith.constant 16 : i32
      %div3A_1013 = arith.divsi %scan3A_1011, %jit3A_1012 : i32
      %sign3A_1014 = arith.constant 0 : i32
      %sign3A_1015 = arith.cmpi sgt, %scan3A_1011, %sign3A_1014 : i32
      %sign3A_1016 = arith.extui %sign3A_1015 : i1 to i32
      %sign3A_1017 = arith.constant 0 : i32
      %sign3A_1018 = arith.cmpi slt, %scan3A_1011, %sign3A_1017 : i32
      %sign3A_1019 = arith.extui %sign3A_1018 : i1 to i32
      %sign3A_1020 = arith.subi %sign3A_1016, %sign3A_1019 : i32
      %sign3A_1021 = arith.constant 0 : i32
      %sign3A_1022 = arith.cmpi sgt, %jit3A_1012, %sign3A_1021 : i32
      %sign3A_1023 = arith.extui %sign3A_1022 : i1 to i32
      %sign3A_1024 = arith.constant 0 : i32
      %sign3A_1025 = arith.cmpi slt, %jit3A_1012, %sign3A_1024 : i32
      %sign3A_1026 = arith.extui %sign3A_1025 : i1 to i32
      %sign3A_1027 = arith.subi %sign3A_1023, %sign3A_1026 : i32
      %ne3A_1028 = arith.cmpi ne, %sign3A_1020, %sign3A_1027 : i32
      %rem3A_1029 = arith.remsi %scan3A_1011, %jit3A_1012 : i32
      %ne3A_1030 = arith.constant 0 : i32
      %ne3A_1031 = arith.cmpi ne, %rem3A_1029, %ne3A_1030 : i32
      %and3A_1032 = arith.andi %ne3A_1028, %ne3A_1031 : i1
      %sub3A_1033 = arith.constant 1 : i32
      %sub3A_1034 = arith.subi %div3A_1013, %sub3A_1033 : i32
      %select_n3A_1035 = arith.select %and3A_1032, %sub3A_1034, %div3A_1013 : i32
      %jit3A_1036 = arith.constant 16 : i32
      %eq3A_1037 = arith.constant 0 : i32
      %eq3A_1038 = arith.cmpi eq, %jit3A_1036, %eq3A_1037 : i32
      %jit3A_1039 = arith.constant 1 : i32
      %select_n3A_1040 = arith.select %eq3A_1038, %jit3A_1039, %jit3A_1036 : i32
      %rem3A_1041 = arith.remsi %scan3A_1011, %select_n3A_1040 : i32
      %ne3A_1042 = arith.constant 0 : i32
      %ne3A_1043 = arith.cmpi ne, %rem3A_1041, %ne3A_1042 : i32
      %lt3A_1044 = arith.constant 0 : i32
      %lt3A_1045 = arith.cmpi slt, %rem3A_1041, %lt3A_1044 : i32
      %lt3A_1046 = arith.constant 0 : i32
      %lt3A_1047 = arith.cmpi slt, %select_n3A_1040, %lt3A_1046 : i32
      %ne3A_1048 = arith.xori %lt3A_1045, %lt3A_1047 : i1
      %and3A_1049 = arith.andi %ne3A_1048, %ne3A_1043 : i1
      %add3A_1050 = arith.addi %rem3A_1041, %select_n3A_1040 : i32
      %select_n3A_1051 = arith.select %and3A_1049, %add3A_1050, %rem3A_1041 : i32
      %shift_left3A_1052 = arith.constant 1 : i32
      %shift_left3A_1053 = arith.shli %shift_left3A_1052, %select_n3A_1035 : i32
      %shift_right_arithmetic3A_1054 = vector.broadcast %select_n3A_1035 : i32 to vector<16xi32>
      %shift_right_arithmetic3A_1055 = arith.shrsi %iota3A, %shift_right_arithmetic3A_1054 : vector<16xi32>
      %and3A_1056 = arith.constant 1 : i32
      %and3A_1057 = vector.broadcast %and3A_1056 : i32 to vector<16xi32>
      %and3A_1058 = arith.andi %shift_right_arithmetic3A_1055, %and3A_1057 : vector<16xi32>
      %mul3A_1059 = arith.constant 2 : i32
      %mul3A_1060 = vector.broadcast %mul3A_1059 : i32 to vector<16xi32>
      %mul3A_1061 = arith.muli %mul3A_1060, %and3A_1058 : vector<16xi32>
      %sub3A_1062 = arith.constant 1 : i32
      %sub3A_1063 = vector.broadcast %sub3A_1062 : i32 to vector<16xi32>
      %sub3A_1064 = arith.subi %sub3A_1063, %mul3A_1061 : vector<16xi32>
      %convert_element_type3A_1065 = arith.sitofp %sub3A_1064 : vector<16xi32> to vector<16xf32>
      %xor3A_1066 = vector.broadcast %shift_left3A_1053 : i32 to vector<16xi32>
      %xor3A_1067 = arith.xori %iota3A, %xor3A_1066 : vector<16xi32>
      %mul3A_1068 = arith.constant 16 : i32
      %mul3A_1069 = arith.muli %select_n3A_1051, %mul3A_1068 : i32
      %add3A_1070 = vector.broadcast %mul3A_1069 : i32 to vector<16xi32>
      %add3A_1071 = arith.addi %xor3A_1067, %add3A_1070 : vector<16xi32>
      %mul3A_1072 = arith.constant 16 : i32
      %mul3A_1073 = arith.muli %select_n3A_1051, %mul3A_1072 : i32
      %get3A_1074 = arith.index_cast %mul3A_1073 : i32 to index
      %get3A_1075 = tpu.vector_load %arg7[%get3A_1074] {strides = array<i32>} : memref<256xf32, #tpu.memory_space<vmem>>, vector<16xf32>,
      %gather3A_1076 = tpu.vector_load_idx %arg7[%add3A_1071] : memref<256xf32, #tpu.memory_space<vmem>>[vector<16xi32>], vector<16xf32>,
      %mul3A_1077 = arith.mulf %convert_element_type3A_1065, %get3A_1075 : vector<16xf32>
      %add3A_1078 = arith.addf %gather3A_1076, %mul3A_1077 : vector<16xf32>
      %mul3A_1079 = arith.constant 16 : i32
      %mul3A_1080 = arith.muli %select_n3A_1051, %mul3A_1079 : i32
      %swap3A_1081 = arith.index_cast %mul3A_1080 : i32 to index
      %swap3A_1082 = tpu.vector_load %arg7[%swap3A_1081] {strides = array<i32>} : memref<256xf32, #tpu.memory_space<vmem>>, vector<16xf32>,
      tpu.vector_store %arg7[%swap3A_1081], %add3A_1078 {strides = array<i32>} : memref<256xf32, #tpu.memory_space<vmem>>, vector<16xf32>,
    }
    %scan3A_617 = arith.constant 64 : i32
    %get3A_618 = arith.constant 0 : index
    %get3A_619 = tpu.vector_load %arg7[%get3A_618] {strides = array<i32>} : memref<256xf32, #tpu.memory_space<vmem>>, vector<16xf32>,
    %get3A_620 = arith.constant 16 : index
    %get3A_621 = tpu.vector_load %arg7[%get3A_620] {strides = array<i32>} : memref<256xf32, #tpu.memory_space<vmem>>, vector<16xf32>,
    %add3A_622 = arith.addf %get3A_619, %get3A_621 : vector<16xf32>
    %swap3A_623 = arith.constant 0 : index
    %swap3A_624 = tpu.vector_load %arg7[%swap3A_623] {strides = array<i32>} : memref<256xf32, #tpu.memory_space<vmem>>, vector<16xf32>,
    tpu.vector_store %arg7[%swap3A_623], %add3A_622 {strides = array<i32>} : memref<256xf32, #tpu.memory_space<vmem>>, vector<16xf32>,
    %sub3A = arith.subf %get3A_619, %get3A_621 : vector<16xf32>
    %swap3A_625 = arith.constant 16 : index
    %swap3A_626 = tpu.vector_load %arg7[%swap3A_625] {strides = array<i32>} : memref<256xf32, #tpu.memory_space<vmem>>, vector<16xf32>,
    tpu.vector_store %arg7[%swap3A_625], %sub3A {strides = array<i32>} : memref<256xf32, #tpu.memory_space<vmem>>, vector<16xf32>,
    %get3A_627 = arith.constant 32 : index
    %get3A_628 = tpu.vector_load %arg7[%get3A_627] {strides = array<i32>} : memref<256xf32, #tpu.memory_space<vmem>>, vector<16xf32>,
    %get3A_629 = arith.constant 48 : index
    %get3A_630 = tpu.vector_load %arg7[%get3A_629] {strides = array<i32>} : memref<256xf32, #tpu.memory_space<vmem>>, vector<16xf32>,
    %add3A_631 = arith.addf %get3A_628, %get3A_630 : vector<16xf32>
    %swap3A_632 = arith.constant 32 : index
    %swap3A_633 = tpu.vector_load %arg7[%swap3A_632] {strides = array<i32>} : memref<256xf32, #tpu.memory_space<vmem>>, vector<16xf32>,
    tpu.vector_store %arg7[%swap3A_632], %add3A_631 {strides = array<i32>} : memref<256xf32, #tpu.memory_space<vmem>>, vector<16xf32>,
    %sub3A_634 = arith.subf %get3A_628, %get3A_630 : vector<16xf32>
    %swap3A_635 = arith.constant 48 : index
    %swap3A_636 = tpu.vector_load %arg7[%swap3A_635] {strides = array<i32>} : memref<256xf32, #tpu.memory_space<vmem>>, vector<16xf32>,
    tpu.vector_store %arg7[%swap3A_635], %sub3A_634 {strides = array<i32>} : memref<256xf32, #tpu.memory_space<vmem>>, vector<16xf32>,
    %get3A_637 = arith.constant 64 : index
    %get3A_638 = tpu.vector_load %arg7[%get3A_637] {strides = array<i32>} : memref<256xf32, #tpu.memory_space<vmem>>, vector<16xf32>,
    %get3A_639 = arith.constant 80 : index
    %get3A_640 = tpu.vector_load %arg7[%get3A_639] {strides = array<i32>} : memref<256xf32, #tpu.memory_space<vmem>>, vector<16xf32>,
    %add3A_641 = arith.addf %get3A_638, %get3A_640 : vector<16xf32>
    %swap3A_642 = arith.constant 64 : index
    %swap3A_643 = tpu.vector_load %arg7[%swap3A_642] {strides = array<i32>} : memref<256xf32, #tpu.memory_space<vmem>>, vector<16xf32>,
    tpu.vector_store %arg7[%swap3A_642], %add3A_641 {strides = array<i32>} : memref<256xf32, #tpu.memory_space<vmem>>, vector<16xf32>,
    %sub3A_644 = arith.subf %get3A_638, %get3A_640 : vector<16xf32>
    %swap3A_645 = arith.constant 80 : index
    %swap3A_646 = tpu.vector_load %arg7[%swap3A_645] {strides = array<i32>} : memref<256xf32, #tpu.memory_space<vmem>>, vector<16xf32>,
    tpu.vector_store %arg7[%swap3A_645], %sub3A_644 {strides = array<i32>} : memref<256xf32, #tpu.memory_space<vmem>>, vector<16xf32>,
    %get3A_647 = arith.constant 96 : index
    %get3A_648 = tpu.vector_load %arg7[%get3A_647] {strides = array<i32>} : memref<256xf32, #tpu.memory_space<vmem>>, vector<16xf32>,
    %get3A_649 = arith.constant 112 : index
    %get3A_650 = tpu.vector_load %arg7[%get3A_649] {strides = array<i32>} : memref<256xf32, #tpu.memory_space<vmem>>, vector<16xf32>,
    %add3A_651 = arith.addf %get3A_648, %get3A_650 : vector<16xf32>
    %swap3A_652 = arith.constant 96 : index
    %swap3A_653 = tpu.vector_load %arg7[%swap3A_652] {strides = array<i32>} : memref<256xf32, #tpu.memory_space<vmem>>, vector<16xf32>,
    tpu.vector_store %arg7[%swap3A_652], %add3A_651 {strides = array<i32>} : memref<256xf32, #tpu.memory_space<vmem>>, vector<16xf32>,
    %sub3A_654 = arith.subf %get3A_648, %get3A_650 : vector<16xf32>
    %swap3A_655 = arith.constant 112 : index
    %swap3A_656 = tpu.vector_load %arg7[%swap3A_655] {strides = array<i32>} : memref<256xf32, #tpu.memory_space<vmem>>, vector<16xf32>,
    tpu.vector_store %arg7[%swap3A_655], %sub3A_654 {strides = array<i32>} : memref<256xf32, #tpu.memory_space<vmem>>, vector<16xf32>,
    %get3A_657 = arith.constant 128 : index
    %get3A_658 = tpu.vector_load %arg7[%get3A_657] {strides = array<i32>} : memref<256xf32, #tpu.memory_space<vmem>>, vector<16xf32>,
    %get3A_659 = arith.constant 144 : index
    %get3A_660 = tpu.vector_load %arg7[%get3A_659] {strides = array<i32>} : memref<256xf32, #tpu.memory_space<vmem>>, vector<16xf32>,
    %add3A_661 = arith.addf %get3A_658, %get3A_660 : vector<16xf32>
    %swap3A_662 = arith.constant 128 : index
    %swap3A_663 = tpu.vector_load %arg7[%swap3A_662] {strides = array<i32>} : memref<256xf32, #tpu.memory_space<vmem>>, vector<16xf32>,
    tpu.vector_store %arg7[%swap3A_662], %add3A_661 {strides = array<i32>} : memref<256xf32, #tpu.memory_space<vmem>>, vector<16xf32>,
    %sub3A_664 = arith.subf %get3A_658, %get3A_660 : vector<16xf32>
    %swap3A_665 = arith.constant 144 : index
    %swap3A_666 = tpu.vector_load %arg7[%swap3A_665] {strides = array<i32>} : memref<256xf32, #tpu.memory_space<vmem>>, vector<16xf32>,
    tpu.vector_store %arg7[%swap3A_665], %sub3A_664 {strides = array<i32>} : memref<256xf32, #tpu.memory_space<vmem>>, vector<16xf32>,
    %get3A_667 = arith.constant 160 : index
    %get3A_668 = tpu.vector_load %arg7[%get3A_667] {strides = array<i32>} : memref<256xf32, #tpu.memory_space<vmem>>, vector<16xf32>,
    %get3A_669 = arith.constant 176 : index
    %get3A_670 = tpu.vector_load %arg7[%get3A_669] {strides = array<i32>} : memref<256xf32, #tpu.memory_space<vmem>>, vector<16xf32>,
    %add3A_671 = arith.addf %get3A_668, %get3A_670 : vector<16xf32>
    %swap3A_672 = arith.constant 160 : index
    %swap3A_673 = tpu.vector_load %arg7[%swap3A_672] {strides = array<i32>} : memref<256xf32, #tpu.memory_space<vmem>>, vector<16xf32>,
    tpu.vector_store %arg7[%swap3A_672], %add3A_671 {strides = array<i32>} : memref<256xf32, #tpu.memory_space<vmem>>, vector<16xf32>,
    %sub3A_674 = arith.subf %get3A_668, %get3A_670 : vector<16xf32>
    %swap3A_675 = arith.constant 176 : index
    %swap3A_676 = tpu.vector_load %arg7[%swap3A_675] {strides = array<i32>} : memref<256xf32, #tpu.memory_space<vmem>>, vector<16xf32>,
    tpu.vector_store %arg7[%swap3A_675], %sub3A_674 {strides = array<i32>} : memref<256xf32, #tpu.memory_space<vmem>>, vector<16xf32>,
    %get3A_677 = arith.constant 192 : index
    %get3A_678 = tpu.vector_load %arg7[%get3A_677] {strides = array<i32>} : memref<256xf32, #tpu.memory_space<vmem>>, vector<16xf32>,
    %get3A_679 = arith.constant 208 : index
    %get3A_680 = tpu.vector_load %arg7[%get3A_679] {strides = array<i32>} : memref<256xf32, #tpu.memory_space<vmem>>, vector<16xf32>,
    %add3A_681 = arith.addf %get3A_678, %get3A_680 : vector<16xf32>
    %swap3A_682 = arith.constant 192 : index
    %swap3A_683 = tpu.vector_load %arg7[%swap3A_682] {strides = array<i32>} : memref<256xf32, #tpu.memory_space<vmem>>, vector<16xf32>,
    tpu.vector_store %arg7[%swap3A_682], %add3A_681 {strides = array<i32>} : memref<256xf32, #tpu.memory_space<vmem>>, vector<16xf32>,
    %sub3A_684 = arith.subf %get3A_678, %get3A_680 : vector<16xf32>
    %swap3A_685 = arith.constant 208 : index
    %swap3A_686 = tpu.vector_load %arg7[%swap3A_685] {strides = array<i32>} : memref<256xf32, #tpu.memory_space<vmem>>, vector<16xf32>,
    tpu.vector_store %arg7[%swap3A_685], %sub3A_684 {strides = array<i32>} : memref<256xf32, #tpu.memory_space<vmem>>, vector<16xf32>,
    %get3A_687 = arith.constant 224 : index
    %get3A_688 = tpu.vector_load %arg7[%get3A_687] {strides = array<i32>} : memref<256xf32, #tpu.memory_space<vmem>>, vector<16xf32>,
    %get3A_689 = arith.constant 240 : index
    %get3A_690 = tpu.vector_load %arg7[%get3A_689] {strides = array<i32>} : memref<256xf32, #tpu.memory_space<vmem>>, vector<16xf32>,
    %add3A_691 = arith.addf %get3A_688, %get3A_690 : vector<16xf32>
    %swap3A_692 = arith.constant 224 : index
    %swap3A_693 = tpu.vector_load %arg7[%swap3A_692] {strides = array<i32>} : memref<256xf32, #tpu.memory_space<vmem>>, vector<16xf32>,
    tpu.vector_store %arg7[%swap3A_692], %add3A_691 {strides = array<i32>} : memref<256xf32, #tpu.memory_space<vmem>>, vector<16xf32>,
    %sub3A_694 = arith.subf %get3A_688, %get3A_690 : vector<16xf32>
    %swap3A_695 = arith.constant 240 : index
    %swap3A_696 = tpu.vector_load %arg7[%swap3A_695] {strides = array<i32>} : memref<256xf32, #tpu.memory_space<vmem>>, vector<16xf32>,
    tpu.vector_store %arg7[%swap3A_695], %sub3A_694 {strides = array<i32>} : memref<256xf32, #tpu.memory_space<vmem>>, vector<16xf32>,
    %get3A_697 = arith.constant 0 : index
    %get3A_698 = tpu.vector_load %arg7[%get3A_697] {strides = array<i32>} : memref<256xf32, #tpu.memory_space<vmem>>, vector<16xf32>,
    %get3A_699 = arith.constant 32 : index
    %get3A_700 = tpu.vector_load %arg7[%get3A_699] {strides = array<i32>} : memref<256xf32, #tpu.memory_space<vmem>>, vector<16xf32>,
    %add3A_701 = arith.addf %get3A_698, %get3A_700 : vector<16xf32>
    %swap3A_702 = arith.constant 0 : index
    %swap3A_703 = tpu.vector_load %arg7[%swap3A_702] {strides = array<i32>} : memref<256xf32, #tpu.memory_space<vmem>>, vector<16xf32>,
    tpu.vector_store %arg7[%swap3A_702], %add3A_701 {strides = array<i32>} : memref<256xf32, #tpu.memory_space<vmem>>, vector<16xf32>,
    %sub3A_704 = arith.subf %get3A_698, %get3A_700 : vector<16xf32>
    %swap3A_705 = arith.constant 32 : index
    %swap3A_706 = tpu.vector_load %arg7[%swap3A_705] {strides = array<i32>} : memref<256xf32, #tpu.memory_space<vmem>>, vector<16xf32>,
    tpu.vector_store %arg7[%swap3A_705], %sub3A_704 {strides = array<i32>} : memref<256xf32, #tpu.memory_space<vmem>>, vector<16xf32>,
    %get3A_707 = arith.constant 16 : index
    %get3A_708 = tpu.vector_load %arg7[%get3A_707] {strides = array<i32>} : memref<256xf32, #tpu.memory_space<vmem>>, vector<16xf32>,
    %get3A_709 = arith.constant 48 : index
    %get3A_710 = tpu.vector_load %arg7[%get3A_709] {strides = array<i32>} : memref<256xf32, #tpu.memory_space<vmem>>, vector<16xf32>,
    %add3A_711 = arith.addf %get3A_708, %get3A_710 : vector<16xf32>
    %swap3A_712 = arith.constant 16 : index
    %swap3A_713 = tpu.vector_load %arg7[%swap3A_712] {strides = array<i32>} : memref<256xf32, #tpu.memory_space<vmem>>, vector<16xf32>,
    tpu.vector_store %arg7[%swap3A_712], %add3A_711 {strides = array<i32>} : memref<256xf32, #tpu.memory_space<vmem>>, vector<16xf32>,
    %sub3A_714 = arith.subf %get3A_708, %get3A_710 : vector<16xf32>
    %swap3A_715 = arith.constant 48 : index
    %swap3A_716 = tpu.vector_load %arg7[%swap3A_715] {strides = array<i32>} : memref<256xf32, #tpu.memory_space<vmem>>, vector<16xf32>,
    tpu.vector_store %arg7[%swap3A_715], %sub3A_714 {strides = array<i32>} : memref<256xf32, #tpu.memory_space<vmem>>, vector<16xf32>,
    %get3A_717 = arith.constant 64 : index
    %get3A_718 = tpu.vector_load %arg7[%get3A_717] {strides = array<i32>} : memref<256xf32, #tpu.memory_space<vmem>>, vector<16xf32>,
    %get3A_719 = arith.constant 96 : index
    %get3A_720 = tpu.vector_load %arg7[%get3A_719] {strides = array<i32>} : memref<256xf32, #tpu.memory_space<vmem>>, vector<16xf32>,
    %add3A_721 = arith.addf %get3A_718, %get3A_720 : vector<16xf32>
    %swap3A_722 = arith.constant 64 : index
    %swap3A_723 = tpu.vector_load %arg7[%swap3A_722] {strides = array<i32>} : memref<256xf32, #tpu.memory_space<vmem>>, vector<16xf32>,
    tpu.vector_store %arg7[%swap3A_722], %add3A_721 {strides = array<i32>} : memref<256xf32, #tpu.memory_space<vmem>>, vector<16xf32>,
    %sub3A_724 = arith.subf %get3A_718, %get3A_720 : vector<16xf32>
    %swap3A_725 = arith.constant 96 : index
    %swap3A_726 = tpu.vector_load %arg7[%swap3A_725] {strides = array<i32>} : memref<256xf32, #tpu.memory_space<vmem>>, vector<16xf32>,
    tpu.vector_store %arg7[%swap3A_725], %sub3A_724 {strides = array<i32>} : memref<256xf32, #tpu.memory_space<vmem>>, vector<16xf32>,
    %get3A_727 = arith.constant 80 : index
    %get3A_728 = tpu.vector_load %arg7[%get3A_727] {strides = array<i32>} : memref<256xf32, #tpu.memory_space<vmem>>, vector<16xf32>,
    %get3A_729 = arith.constant 112 : index
    %get3A_730 = tpu.vector_load %arg7[%get3A_729] {strides = array<i32>} : memref<256xf32, #tpu.memory_space<vmem>>, vector<16xf32>,
    %add3A_731 = arith.addf %get3A_728, %get3A_730 : vector<16xf32>
    %swap3A_732 = arith.constant 80 : index
    %swap3A_733 = tpu.vector_load %arg7[%swap3A_732] {strides = array<i32>} : memref<256xf32, #tpu.memory_space<vmem>>, vector<16xf32>,
    tpu.vector_store %arg7[%swap3A_732], %add3A_731 {strides = array<i32>} : memref<256xf32, #tpu.memory_space<vmem>>, vector<16xf32>,
    %sub3A_734 = arith.subf %get3A_728, %get3A_730 : vector<16xf32>
    %swap3A_735 = arith.constant 112 : index
    %swap3A_736 = tpu.vector_load %arg7[%swap3A_735] {strides = array<i32>} : memref<256xf32, #tpu.memory_space<vmem>>, vector<16xf32>,
    tpu.vector_store %arg7[%swap3A_735], %sub3A_734 {strides = array<i32>} : memref<256xf32, #tpu.memory_space<vmem>>, vector<16xf32>,
    %get3A_737 = arith.constant 128 : index
    %get3A_738 = tpu.vector_load %arg7[%get3A_737] {strides = array<i32>} : memref<256xf32, #tpu.memory_space<vmem>>, vector<16xf32>,
    %get3A_739 = arith.constant 160 : index
    %get3A_740 = tpu.vector_load %arg7[%get3A_739] {strides = array<i32>} : memref<256xf32, #tpu.memory_space<vmem>>, vector<16xf32>,
    %add3A_741 = arith.addf %get3A_738, %get3A_740 : vector<16xf32>
    %swap3A_742 = arith.constant 128 : index
    %swap3A_743 = tpu.vector_load %arg7[%swap3A_742] {strides = array<i32>} : memref<256xf32, #tpu.memory_space<vmem>>, vector<16xf32>,
    tpu.vector_store %arg7[%swap3A_742], %add3A_741 {strides = array<i32>} : memref<256xf32, #tpu.memory_space<vmem>>, vector<16xf32>,
    %sub3A_744 = arith.subf %get3A_738, %get3A_740 : vector<16xf32>
    %swap3A_745 = arith.constant 160 : index
    %swap3A_746 = tpu.vector_load %arg7[%swap3A_745] {strides = array<i32>} : memref<256xf32, #tpu.memory_space<vmem>>, vector<16xf32>,
    tpu.vector_store %arg7[%swap3A_745], %sub3A_744 {strides = array<i32>} : memref<256xf32, #tpu.memory_space<vmem>>, vector<16xf32>,
    %get3A_747 = arith.constant 144 : index
    %get3A_748 = tpu.vector_load %arg7[%get3A_747] {strides = array<i32>} : memref<256xf32, #tpu.memory_space<vmem>>, vector<16xf32>,
    %get3A_749 = arith.constant 176 : index
    %get3A_750 = tpu.vector_load %arg7[%get3A_749] {strides = array<i32>} : memref<256xf32, #tpu.memory_space<vmem>>, vector<16xf32>,
    %add3A_751 = arith.addf %get3A_748, %get3A_750 : vector<16xf32>
    %swap3A_752 = arith.constant 144 : index
    %swap3A_753 = tpu.vector_load %arg7[%swap3A_752] {strides = array<i32>} : memref<256xf32, #tpu.memory_space<vmem>>, vector<16xf32>,
    tpu.vector_store %arg7[%swap3A_752], %add3A_751 {strides = array<i32>} : memref<256xf32, #tpu.memory_space<vmem>>, vector<16xf32>,
    %sub3A_754 = arith.subf %get3A_748, %get3A_750 : vector<16xf32>
    %swap3A_755 = arith.constant 176 : index
    %swap3A_756 = tpu.vector_load %arg7[%swap3A_755] {strides = array<i32>} : memref<256xf32, #tpu.memory_space<vmem>>, vector<16xf32>,
    tpu.vector_store %arg7[%swap3A_755], %sub3A_754 {strides = array<i32>} : memref<256xf32, #tpu.memory_space<vmem>>, vector<16xf32>,
    %get3A_757 = arith.constant 192 : index
    %get3A_758 = tpu.vector_load %arg7[%get3A_757] {strides = array<i32>} : memref<256xf32, #tpu.memory_space<vmem>>, vector<16xf32>,
    %get3A_759 = arith.constant 224 : index
    %get3A_760 = tpu.vector_load %arg7[%get3A_759] {strides = array<i32>} : memref<256xf32, #tpu.memory_space<vmem>>, vector<16xf32>,
    %add3A_761 = arith.addf %get3A_758, %get3A_760 : vector<16xf32>
    %swap3A_762 = arith.constant 192 : index
    %swap3A_763 = tpu.vector_load %arg7[%swap3A_762] {strides = array<i32>} : memref<256xf32, #tpu.memory_space<vmem>>, vector<16xf32>,
    tpu.vector_store %arg7[%swap3A_762], %add3A_761 {strides = array<i32>} : memref<256xf32, #tpu.memory_space<vmem>>, vector<16xf32>,
    %sub3A_764 = arith.subf %get3A_758, %get3A_760 : vector<16xf32>
    %swap3A_765 = arith.constant 224 : index
    %swap3A_766 = tpu.vector_load %arg7[%swap3A_765] {strides = array<i32>} : memref<256xf32, #tpu.memory_space<vmem>>, vector<16xf32>,
    tpu.vector_store %arg7[%swap3A_765], %sub3A_764 {strides = array<i32>} : memref<256xf32, #tpu.memory_space<vmem>>, vector<16xf32>,
    %get3A_767 = arith.constant 208 : index
    %get3A_768 = tpu.vector_load %arg7[%get3A_767] {strides = array<i32>} : memref<256xf32, #tpu.memory_space<vmem>>, vector<16xf32>,
    %get3A_769 = arith.constant 240 : index
    %get3A_770 = tpu.vector_load %arg7[%get3A_769] {strides = array<i32>} : memref<256xf32, #tpu.memory_space<vmem>>, vector<16xf32>,
    %add3A_771 = arith.addf %get3A_768, %get3A_770 : vector<16xf32>
    %swap3A_772 = arith.constant 208 : index
    %swap3A_773 = tpu.vector_load %arg7[%swap3A_772] {strides = array<i32>} : memref<256xf32, #tpu.memory_space<vmem>>, vector<16xf32>,
    tpu.vector_store %arg7[%swap3A_772], %add3A_771 {strides = array<i32>} : memref<256xf32, #tpu.memory_space<vmem>>, vector<16xf32>,
    %sub3A_774 = arith.subf %get3A_768, %get3A_770 : vector<16xf32>
    %swap3A_775 = arith.constant 240 : index
    %swap3A_776 = tpu.vector_load %arg7[%swap3A_775] {strides = array<i32>} : memref<256xf32, #tpu.memory_space<vmem>>, vector<16xf32>,
    tpu.vector_store %arg7[%swap3A_775], %sub3A_774 {strides = array<i32>} : memref<256xf32, #tpu.memory_space<vmem>>, vector<16xf32>,
    %get3A_777 = arith.constant 0 : index
    %get3A_778 = tpu.vector_load %arg7[%get3A_777] {strides = array<i32>} : memref<256xf32, #tpu.memory_space<vmem>>, vector<16xf32>,
    %get3A_779 = arith.constant 64 : index
    %get3A_780 = tpu.vector_load %arg7[%get3A_779] {strides = array<i32>} : memref<256xf32, #tpu.memory_space<vmem>>, vector<16xf32>,
    %add3A_781 = arith.addf %get3A_778, %get3A_780 : vector<16xf32>
    %swap3A_782 = arith.constant 0 : index
    %swap3A_783 = tpu.vector_load %arg7[%swap3A_782] {strides = array<i32>} : memref<256xf32, #tpu.memory_space<vmem>>, vector<16xf32>,
    tpu.vector_store %arg7[%swap3A_782], %add3A_781 {strides = array<i32>} : memref<256xf32, #tpu.memory_space<vmem>>, vector<16xf32>,
    %sub3A_784 = arith.subf %get3A_778, %get3A_780 : vector<16xf32>
    %swap3A_785 = arith.constant 64 : index
    %swap3A_786 = tpu.vector_load %arg7[%swap3A_785] {strides = array<i32>} : memref<256xf32, #tpu.memory_space<vmem>>, vector<16xf32>,
    tpu.vector_store %arg7[%swap3A_785], %sub3A_784 {strides = array<i32>} : memref<256xf32, #tpu.memory_space<vmem>>, vector<16xf32>,
    %get3A_787 = arith.constant 16 : index
    %get3A_788 = tpu.vector_load %arg7[%get3A_787] {strides = array<i32>} : memref<256xf32, #tpu.memory_space<vmem>>, vector<16xf32>,
    %get3A_789 = arith.constant 80 : index
    %get3A_790 = tpu.vector_load %arg7[%get3A_789] {strides = array<i32>} : memref<256xf32, #tpu.memory_space<vmem>>, vector<16xf32>,
    %add3A_791 = arith.addf %get3A_788, %get3A_790 : vector<16xf32>
    %swap3A_792 = arith.constant 16 : index
    %swap3A_793 = tpu.vector_load %arg7[%swap3A_792] {strides = array<i32>} : memref<256xf32, #tpu.memory_space<vmem>>, vector<16xf32>,
    tpu.vector_store %arg7[%swap3A_792], %add3A_791 {strides = array<i32>} : memref<256xf32, #tpu.memory_space<vmem>>, vector<16xf32>,
    %sub3A_794 = arith.subf %get3A_788, %get3A_790 : vector<16xf32>
    %swap3A_795 = arith.constant 80 : index
    %swap3A_796 = tpu.vector_load %arg7[%swap3A_795] {strides = array<i32>} : memref<256xf32, #tpu.memory_space<vmem>>, vector<16xf32>,
    tpu.vector_store %arg7[%swap3A_795], %sub3A_794 {strides = array<i32>} : memref<256xf32, #tpu.memory_space<vmem>>, vector<16xf32>,
    %get3A_797 = arith.constant 32 : index
    %get3A_798 = tpu.vector_load %arg7[%get3A_797] {strides = array<i32>} : memref<256xf32, #tpu.memory_space<vmem>>, vector<16xf32>,
    %get3A_799 = arith.constant 96 : index
    %get3A_800 = tpu.vector_load %arg7[%get3A_799] {strides = array<i32>} : memref<256xf32, #tpu.memory_space<vmem>>, vector<16xf32>,
    %add3A_801 = arith.addf %get3A_798, %get3A_800 : vector<16xf32>
    %swap3A_802 = arith.constant 32 : index
    %swap3A_803 = tpu.vector_load %arg7[%swap3A_802] {strides = array<i32>} : memref<256xf32, #tpu.memory_space<vmem>>, vector<16xf32>,
    tpu.vector_store %arg7[%swap3A_802], %add3A_801 {strides = array<i32>} : memref<256xf32, #tpu.memory_space<vmem>>, vector<16xf32>,
    %sub3A_804 = arith.subf %get3A_798, %get3A_800 : vector<16xf32>
    %swap3A_805 = arith.constant 96 : index
    %swap3A_806 = tpu.vector_load %arg7[%swap3A_805] {strides = array<i32>} : memref<256xf32, #tpu.memory_space<vmem>>, vector<16xf32>,
    tpu.vector_store %arg7[%swap3A_805], %sub3A_804 {strides = array<i32>} : memref<256xf32, #tpu.memory_space<vmem>>, vector<16xf32>,
    %get3A_807 = arith.constant 48 : index
    %get3A_808 = tpu.vector_load %arg7[%get3A_807] {strides = array<i32>} : memref<256xf32, #tpu.memory_space<vmem>>, vector<16xf32>,
    %get3A_809 = arith.constant 112 : index
    %get3A_810 = tpu.vector_load %arg7[%get3A_809] {strides = array<i32>} : memref<256xf32, #tpu.memory_space<vmem>>, vector<16xf32>,
    %add3A_811 = arith.addf %get3A_808, %get3A_810 : vector<16xf32>
    %swap3A_812 = arith.constant 48 : index
    %swap3A_813 = tpu.vector_load %arg7[%swap3A_812] {strides = array<i32>} : memref<256xf32, #tpu.memory_space<vmem>>, vector<16xf32>,
    tpu.vector_store %arg7[%swap3A_812], %add3A_811 {strides = array<i32>} : memref<256xf32, #tpu.memory_space<vmem>>, vector<16xf32>,
    %sub3A_814 = arith.subf %get3A_808, %get3A_810 : vector<16xf32>
    %swap3A_815 = arith.constant 112 : index
    %swap3A_816 = tpu.vector_load %arg7[%swap3A_815] {strides = array<i32>} : memref<256xf32, #tpu.memory_space<vmem>>, vector<16xf32>,
    tpu.vector_store %arg7[%swap3A_815], %sub3A_814 {strides = array<i32>} : memref<256xf32, #tpu.memory_space<vmem>>, vector<16xf32>,
    %get3A_817 = arith.constant 128 : index
    %get3A_818 = tpu.vector_load %arg7[%get3A_817] {strides = array<i32>} : memref<256xf32, #tpu.memory_space<vmem>>, vector<16xf32>,
    %get3A_819 = arith.constant 192 : index
    %get3A_820 = tpu.vector_load %arg7[%get3A_819] {strides = array<i32>} : memref<256xf32, #tpu.memory_space<vmem>>, vector<16xf32>,
    %add3A_821 = arith.addf %get3A_818, %get3A_820 : vector<16xf32>
    %swap3A_822 = arith.constant 128 : index
    %swap3A_823 = tpu.vector_load %arg7[%swap3A_822] {strides = array<i32>} : memref<256xf32, #tpu.memory_space<vmem>>, vector<16xf32>,
    tpu.vector_store %arg7[%swap3A_822], %add3A_821 {strides = array<i32>} : memref<256xf32, #tpu.memory_space<vmem>>, vector<16xf32>,
    %sub3A_824 = arith.subf %get3A_818, %get3A_820 : vector<16xf32>
    %swap3A_825 = arith.constant 192 : index
    %swap3A_826 = tpu.vector_load %arg7[%swap3A_825] {strides = array<i32>} : memref<256xf32, #tpu.memory_space<vmem>>, vector<16xf32>,
    tpu.vector_store %arg7[%swap3A_825], %sub3A_824 {strides = array<i32>} : memref<256xf32, #tpu.memory_space<vmem>>, vector<16xf32>,
    %get3A_827 = arith.constant 144 : index
    %get3A_828 = tpu.vector_load %arg7[%get3A_827] {strides = array<i32>} : memref<256xf32, #tpu.memory_space<vmem>>, vector<16xf32>,
    %get3A_829 = arith.constant 208 : index
    %get3A_830 = tpu.vector_load %arg7[%get3A_829] {strides = array<i32>} : memref<256xf32, #tpu.memory_space<vmem>>, vector<16xf32>,
    %add3A_831 = arith.addf %get3A_828, %get3A_830 : vector<16xf32>
    %swap3A_832 = arith.constant 144 : index
    %swap3A_833 = tpu.vector_load %arg7[%swap3A_832] {strides = array<i32>} : memref<256xf32, #tpu.memory_space<vmem>>, vector<16xf32>,
    tpu.vector_store %arg7[%swap3A_832], %add3A_831 {strides = array<i32>} : memref<256xf32, #tpu.memory_space<vmem>>, vector<16xf32>,
    %sub3A_834 = arith.subf %get3A_828, %get3A_830 : vector<16xf32>
    %swap3A_835 = arith.constant 208 : index
    %swap3A_836 = tpu.vector_load %arg7[%swap3A_835] {strides = array<i32>} : memref<256xf32, #tpu.memory_space<vmem>>, vector<16xf32>,
    tpu.vector_store %arg7[%swap3A_835], %sub3A_834 {strides = array<i32>} : memref<256xf32, #tpu.memory_space<vmem>>, vector<16xf32>,
    %get3A_837 = arith.constant 160 : index
    %get3A_838 = tpu.vector_load %arg7[%get3A_837] {strides = array<i32>} : memref<256xf32, #tpu.memory_space<vmem>>, vector<16xf32>,
    %get3A_839 = arith.constant 224 : index
    %get3A_840 = tpu.vector_load %arg7[%get3A_839] {strides = array<i32>} : memref<256xf32, #tpu.memory_space<vmem>>, vector<16xf32>,
    %add3A_841 = arith.addf %get3A_838, %get3A_840 : vector<16xf32>
    %swap3A_842 = arith.constant 160 : index
    %swap3A_843 = tpu.vector_load %arg7[%swap3A_842] {strides = array<i32>} : memref<256xf32, #tpu.memory_space<vmem>>, vector<16xf32>,
    tpu.vector_store %arg7[%swap3A_842], %add3A_841 {strides = array<i32>} : memref<256xf32, #tpu.memory_space<vmem>>, vector<16xf32>,
    %sub3A_844 = arith.subf %get3A_838, %get3A_840 : vector<16xf32>
    %swap3A_845 = arith.constant 224 : index
    %swap3A_846 = tpu.vector_load %arg7[%swap3A_845] {strides = array<i32>} : memref<256xf32, #tpu.memory_space<vmem>>, vector<16xf32>,
    tpu.vector_store %arg7[%swap3A_845], %sub3A_844 {strides = array<i32>} : memref<256xf32, #tpu.memory_space<vmem>>, vector<16xf32>,
    %get3A_847 = arith.constant 176 : index
    %get3A_848 = tpu.vector_load %arg7[%get3A_847] {strides = array<i32>} : memref<256xf32, #tpu.memory_space<vmem>>, vector<16xf32>,
    %get3A_849 = arith.constant 240 : index
    %get3A_850 = tpu.vector_load %arg7[%get3A_849] {strides = array<i32>} : memref<256xf32, #tpu.memory_space<vmem>>, vector<16xf32>,
    %add3A_851 = arith.addf %get3A_848, %get3A_850 : vector<16xf32>
    %swap3A_852 = arith.constant 176 : index
    %swap3A_853 = tpu.vector_load %arg7[%swap3A_852] {strides = array<i32>} : memref<256xf32, #tpu.memory_space<vmem>>, vector<16xf32>,
    tpu.vector_store %arg7[%swap3A_852], %add3A_851 {strides = array<i32>} : memref<256xf32, #tpu.memory_space<vmem>>, vector<16xf32>,
    %sub3A_854 = arith.subf %get3A_848, %get3A_850 : vector<16xf32>
    %swap3A_855 = arith.constant 240 : index
    %swap3A_856 = tpu.vector_load %arg7[%swap3A_855] {strides = array<i32>} : memref<256xf32, #tpu.memory_space<vmem>>, vector<16xf32>,
    tpu.vector_store %arg7[%swap3A_855], %sub3A_854 {strides = array<i32>} : memref<256xf32, #tpu.memory_space<vmem>>, vector<16xf32>,
    %get3A_857 = arith.constant 0 : index
    %get3A_858 = tpu.vector_load %arg7[%get3A_857] {strides = array<i32>} : memref<256xf32, #tpu.memory_space<vmem>>, vector<16xf32>,
    %get3A_859 = arith.constant 128 : index
    %get3A_860 = tpu.vector_load %arg7[%get3A_859] {strides = array<i32>} : memref<256xf32, #tpu.memory_space<vmem>>, vector<16xf32>,
    %add3A_861 = arith.addf %get3A_858, %get3A_860 : vector<16xf32>
    %swap3A_862 = arith.constant 0 : index
    %swap3A_863 = tpu.vector_load %arg7[%swap3A_862] {strides = array<i32>} : memref<256xf32, #tpu.memory_space<vmem>>, vector<16xf32>,
    tpu.vector_store %arg7[%swap3A_862], %add3A_861 {strides = array<i32>} : memref<256xf32, #tpu.memory_space<vmem>>, vector<16xf32>,
    %sub3A_864 = arith.subf %get3A_858, %get3A_860 : vector<16xf32>
    %swap3A_865 = arith.constant 128 : index
    %swap3A_866 = tpu.vector_load %arg7[%swap3A_865] {strides = array<i32>} : memref<256xf32, #tpu.memory_space<vmem>>, vector<16xf32>,
    tpu.vector_store %arg7[%swap3A_865], %sub3A_864 {strides = array<i32>} : memref<256xf32, #tpu.memory_space<vmem>>, vector<16xf32>,
    %get3A_867 = arith.constant 16 : index
    %get3A_868 = tpu.vector_load %arg7[%get3A_867] {strides = array<i32>} : memref<256xf32, #tpu.memory_space<vmem>>, vector<16xf32>,
    %get3A_869 = arith.constant 144 : index
    %get3A_870 = tpu.vector_load %arg7[%get3A_869] {strides = array<i32>} : memref<256xf32, #tpu.memory_space<vmem>>, vector<16xf32>,
    %add3A_871 = arith.addf %get3A_868, %get3A_870 : vector<16xf32>
    %swap3A_872 = arith.constant 16 : index
    %swap3A_873 = tpu.vector_load %arg7[%swap3A_872] {strides = array<i32>} : memref<256xf32, #tpu.memory_space<vmem>>, vector<16xf32>,
    tpu.vector_store %arg7[%swap3A_872], %add3A_871 {strides = array<i32>} : memref<256xf32, #tpu.memory_space<vmem>>, vector<16xf32>,
    %sub3A_874 = arith.subf %get3A_868, %get3A_870 : vector<16xf32>
    %swap3A_875 = arith.constant 144 : index
    %swap3A_876 = tpu.vector_load %arg7[%swap3A_875] {strides = array<i32>} : memref<256xf32, #tpu.memory_space<vmem>>, vector<16xf32>,
    tpu.vector_store %arg7[%swap3A_875], %sub3A_874 {strides = array<i32>} : memref<256xf32, #tpu.memory_space<vmem>>, vector<16xf32>,
    %get3A_877 = arith.constant 32 : index
    %get3A_878 = tpu.vector_load %arg7[%get3A_877] {strides = array<i32>} : memref<256xf32, #tpu.memory_space<vmem>>, vector<16xf32>,
    %get3A_879 = arith.constant 160 : index
    %get3A_880 = tpu.vector_load %arg7[%get3A_879] {strides = array<i32>} : memref<256xf32, #tpu.memory_space<vmem>>, vector<16xf32>,
    %add3A_881 = arith.addf %get3A_878, %get3A_880 : vector<16xf32>
    %swap3A_882 = arith.constant 32 : index
    %swap3A_883 = tpu.vector_load %arg7[%swap3A_882] {strides = array<i32>} : memref<256xf32, #tpu.memory_space<vmem>>, vector<16xf32>,
    tpu.vector_store %arg7[%swap3A_882], %add3A_881 {strides = array<i32>} : memref<256xf32, #tpu.memory_space<vmem>>, vector<16xf32>,
    %sub3A_884 = arith.subf %get3A_878, %get3A_880 : vector<16xf32>
    %swap3A_885 = arith.constant 160 : index
    %swap3A_886 = tpu.vector_load %arg7[%swap3A_885] {strides = array<i32>} : memref<256xf32, #tpu.memory_space<vmem>>, vector<16xf32>,
    tpu.vector_store %arg7[%swap3A_885], %sub3A_884 {strides = array<i32>} : memref<256xf32, #tpu.memory_space<vmem>>, vector<16xf32>,
    %get3A_887 = arith.constant 48 : index
    %get3A_888 = tpu.vector_load %arg7[%get3A_887] {strides = array<i32>} : memref<256xf32, #tpu.memory_space<vmem>>, vector<16xf32>,
    %get3A_889 = arith.constant 176 : index
    %get3A_890 = tpu.vector_load %arg7[%get3A_889] {strides = array<i32>} : memref<256xf32, #tpu.memory_space<vmem>>, vector<16xf32>,
    %add3A_891 = arith.addf %get3A_888, %get3A_890 : vector<16xf32>
    %swap3A_892 = arith.constant 48 : index
    %swap3A_893 = tpu.vector_load %arg7[%swap3A_892] {strides = array<i32>} : memref<256xf32, #tpu.memory_space<vmem>>, vector<16xf32>,
    tpu.vector_store %arg7[%swap3A_892], %add3A_891 {strides = array<i32>} : memref<256xf32, #tpu.memory_space<vmem>>, vector<16xf32>,
    %sub3A_894 = arith.subf %get3A_888, %get3A_890 : vector<16xf32>
    %swap3A_895 = arith.constant 176 : index
    %swap3A_896 = tpu.vector_load %arg7[%swap3A_895] {strides = array<i32>} : memref<256xf32, #tpu.memory_space<vmem>>, vector<16xf32>,
    tpu.vector_store %arg7[%swap3A_895], %sub3A_894 {strides = array<i32>} : memref<256xf32, #tpu.memory_space<vmem>>, vector<16xf32>,
    %get3A_897 = arith.constant 64 : index
    %get3A_898 = tpu.vector_load %arg7[%get3A_897] {strides = array<i32>} : memref<256xf32, #tpu.memory_space<vmem>>, vector<16xf32>,
    %get3A_899 = arith.constant 192 : index
    %get3A_900 = tpu.vector_load %arg7[%get3A_899] {strides = array<i32>} : memref<256xf32, #tpu.memory_space<vmem>>, vector<16xf32>,
    %add3A_901 = arith.addf %get3A_898, %get3A_900 : vector<16xf32>
    %swap3A_902 = arith.constant 64 : index
    %swap3A_903 = tpu.vector_load %arg7[%swap3A_902] {strides = array<i32>} : memref<256xf32, #tpu.memory_space<vmem>>, vector<16xf32>,
    tpu.vector_store %arg7[%swap3A_902], %add3A_901 {strides = array<i32>} : memref<256xf32, #tpu.memory_space<vmem>>, vector<16xf32>,
    %sub3A_904 = arith.subf %get3A_898, %get3A_900 : vector<16xf32>
    %swap3A_905 = arith.constant 192 : index
    %swap3A_906 = tpu.vector_load %arg7[%swap3A_905] {strides = array<i32>} : memref<256xf32, #tpu.memory_space<vmem>>, vector<16xf32>,
    tpu.vector_store %arg7[%swap3A_905], %sub3A_904 {strides = array<i32>} : memref<256xf32, #tpu.memory_space<vmem>>, vector<16xf32>,
    %get3A_907 = arith.constant 80 : index
    %get3A_908 = tpu.vector_load %arg7[%get3A_907] {strides = array<i32>} : memref<256xf32, #tpu.memory_space<vmem>>, vector<16xf32>,
    %get3A_909 = arith.constant 208 : index
    %get3A_910 = tpu.vector_load %arg7[%get3A_909] {strides = array<i32>} : memref<256xf32, #tpu.memory_space<vmem>>, vector<16xf32>,
    %add3A_911 = arith.addf %get3A_908, %get3A_910 : vector<16xf32>
    %swap3A_912 = arith.constant 80 : index
    %swap3A_913 = tpu.vector_load %arg7[%swap3A_912] {strides = array<i32>} : memref<256xf32, #tpu.memory_space<vmem>>, vector<16xf32>,
    tpu.vector_store %arg7[%swap3A_912], %add3A_911 {strides = array<i32>} : memref<256xf32, #tpu.memory_space<vmem>>, vector<16xf32>,
    %sub3A_914 = arith.subf %get3A_908, %get3A_910 : vector<16xf32>
    %swap3A_915 = arith.constant 208 : index
    %swap3A_916 = tpu.vector_load %arg7[%swap3A_915] {strides = array<i32>} : memref<256xf32, #tpu.memory_space<vmem>>, vector<16xf32>,
    tpu.vector_store %arg7[%swap3A_915], %sub3A_914 {strides = array<i32>} : memref<256xf32, #tpu.memory_space<vmem>>, vector<16xf32>,
    %get3A_917 = arith.constant 96 : index
    %get3A_918 = tpu.vector_load %arg7[%get3A_917] {strides = array<i32>} : memref<256xf32, #tpu.memory_space<vmem>>, vector<16xf32>,
    %get3A_919 = arith.constant 224 : index
    %get3A_920 = tpu.vector_load %arg7[%get3A_919] {strides = array<i32>} : memref<256xf32, #tpu.memory_space<vmem>>, vector<16xf32>,
    %add3A_921 = arith.addf %get3A_918, %get3A_920 : vector<16xf32>
    %swap3A_922 = arith.constant 96 : index
    %swap3A_923 = tpu.vector_load %arg7[%swap3A_922] {strides = array<i32>} : memref<256xf32, #tpu.memory_space<vmem>>, vector<16xf32>,
    tpu.vector_store %arg7[%swap3A_922], %add3A_921 {strides = array<i32>} : memref<256xf32, #tpu.memory_space<vmem>>, vector<16xf32>,
    %sub3A_924 = arith.subf %get3A_918, %get3A_920 : vector<16xf32>
    %swap3A_925 = arith.constant 224 : index
    %swap3A_926 = tpu.vector_load %arg7[%swap3A_925] {strides = array<i32>} : memref<256xf32, #tpu.memory_space<vmem>>, vector<16xf32>,
    tpu.vector_store %arg7[%swap3A_925], %sub3A_924 {strides = array<i32>} : memref<256xf32, #tpu.memory_space<vmem>>, vector<16xf32>,
    %get3A_927 = arith.constant 112 : index
    %get3A_928 = tpu.vector_load %arg7[%get3A_927] {strides = array<i32>} : memref<256xf32, #tpu.memory_space<vmem>>, vector<16xf32>,
    %get3A_929 = arith.constant 240 : index
    %get3A_930 = tpu.vector_load %arg7[%get3A_929] {strides = array<i32>} : memref<256xf32, #tpu.memory_space<vmem>>, vector<16xf32>,
    %add3A_931 = arith.addf %get3A_928, %get3A_930 : vector<16xf32>
    %swap3A_932 = arith.constant 112 : index
    %swap3A_933 = tpu.vector_load %arg7[%swap3A_932] {strides = array<i32>} : memref<256xf32, #tpu.memory_space<vmem>>, vector<16xf32>,
    tpu.vector_store %arg7[%swap3A_932], %add3A_931 {strides = array<i32>} : memref<256xf32, #tpu.memory_space<vmem>>, vector<16xf32>,
    %sub3A_934 = arith.subf %get3A_928, %get3A_930 : vector<16xf32>
    %swap3A_935 = arith.constant 240 : index
    %swap3A_936 = tpu.vector_load %arg7[%swap3A_935] {strides = array<i32>} : memref<256xf32, #tpu.memory_space<vmem>>, vector<16xf32>,
    tpu.vector_store %arg7[%swap3A_935], %sub3A_934 {strides = array<i32>} : memref<256xf32, #tpu.memory_space<vmem>>, vector<16xf32>,
    %dma_wait3A = arith.constant 0 : i32
    %dma_wait3A_937 = tpu.memref_slice %arg2[%mul3A_2, %dma_wait3A] : memref<16384x256xi32, #tpu.memory_space<hbm>> -> memref<256x128xi32, #tpu.memory_space<hbm>>
    %dma_wait3A_938 = arith.constant 0 : i32
    %dma_wait3A_939 = tpu.memref_slice %arg2[%mul3A_2, %dma_wait3A_938] : memref<16384x256xi32, #tpu.memory_space<hbm>> -> memref<256x128xi32, #tpu.memory_space<hbm>>
    tpu.wait_dma2 semaphore(%arg10 : memref<!tpu.dma_semaphore, #tpu.memory_space<semaphore_mem>>) src(%dma_wait3A_939 : memref<256x128xi32, #tpu.memory_space<hbm>>) dst(%arg5 : memref<256x128xi32, #tpu.memory_space<vmem>>)
    %scan3A_940 = arith.constant 0 : i32
    %scan3A_941 = arith.constant 0 : i32
    %scan3A_942 = arith.constant 16 : i32
    %scan3A_943 = arith.addi %scan3A_941, %scan3A_942 : i32
    %scan3A_944 = arith.constant 2 : i32
    scf.for %scan3A_946 = %scan3A_941 to %scan3A_943 step %scan3A_944  : i32 {
      %mul3A_947 = arith.constant 16 : i32
      %mul3A_948 = arith.muli %scan3A_946, %mul3A_947 : i32
      %add3A_949 = vector.broadcast %mul3A_948 : i32 to vector<16xi32>
      %add3A_950 = arith.addi %iota3A, %add3A_949 : vector<16xi32>
      %broadcast_in_dim3A_951 = arith.constant 0 : i32
      %broadcast_in_dim3A_952 = vector.broadcast %broadcast_in_dim3A_951 : i32 to vector<16xi32>
      %gather3A_953 = tpu.vector_load_idx %arg5[%add3A_950, %broadcast_in_dim3A_952] : memref<256x128xi32, #tpu.memory_space<vmem>>[vector<16xi32>, vector<16xi32>], vector<16xi32>,
      %broadcast_in_dim3A_954 = arith.constant 1 : i32
      %broadcast_in_dim3A_955 = vector.broadcast %broadcast_in_dim3A_954 : i32 to vector<16xi32>
      %gather3A_956 = tpu.vector_load_idx %arg5[%add3A_950, %broadcast_in_dim3A_955] : memref<256x128xi32, #tpu.memory_space<vmem>>[vector<16xi32>, vector<16xi32>], vector<16xi32>,
      %shift_left3A = arith.constant 1 : i32
      %shift_left3A_957 = vector.broadcast %shift_left3A : i32 to vector<16xi32>
      %shift_left3A_958 = arith.shli %gather3A_956, %shift_left3A_957 : vector<16xi32>
      %add3A_959 = arith.addi %gather3A_953, %shift_left3A_958 : vector<16xi32>
      %broadcast_in_dim3A_960 = arith.constant 2 : i32
      %broadcast_in_dim3A_961 = vector.broadcast %broadcast_in_dim3A_960 : i32 to vector<16xi32>
      %gather3A_962 = tpu.vector_load_idx %arg5[%add3A_950, %broadcast_in_dim3A_961] : memref<256x128xi32, #tpu.memory_space<vmem>>[vector<16xi32>, vector<16xi32>], vector<16xi32>,
      %shift_left3A_963 = arith.constant 2 : i32
      %shift_left3A_964 = vector.broadcast %shift_left3A_963 : i32 to vector<16xi32>
      %shift_left3A_965 = arith.shli %gather3A_962, %shift_left3A_964 : vector<16xi32>
      %add3A_966 = arith.addi %add3A_959, %shift_left3A_965 : vector<16xi32>
      %broadcast_in_dim3A_967 = arith.constant 3 : i32
      %broadcast_in_dim3A_968 = vector.broadcast %broadcast_in_dim3A_967 : i32 to vector<16xi32>
      %gather3A_969 = tpu.vector_load_idx %arg5[%add3A_950, %broadcast_in_dim3A_968] : memref<256x128xi32, #tpu.memory_space<vmem>>[vector<16xi32>, vector<16xi32>], vector<16xi32>,
      %shift_left3A_970 = arith.constant 3 : i32
      %shift_left3A_971 = vector.broadcast %shift_left3A_970 : i32 to vector<16xi32>
      %shift_left3A_972 = arith.shli %gather3A_969, %shift_left3A_971 : vector<16xi32>
      %add3A_973 = arith.addi %add3A_966, %shift_left3A_972 : vector<16xi32>
      %broadcast_in_dim3A_974 = arith.constant 4 : i32
      %broadcast_in_dim3A_975 = vector.broadcast %broadcast_in_dim3A_974 : i32 to vector<16xi32>
      %gather3A_976 = tpu.vector_load_idx %arg5[%add3A_950, %broadcast_in_dim3A_975] : memref<256x128xi32, #tpu.memory_space<vmem>>[vector<16xi32>, vector<16xi32>], vector<16xi32>,
      %shift_left3A_977 = arith.constant 4 : i32
      %shift_left3A_978 = vector.broadcast %shift_left3A_977 : i32 to vector<16xi32>
      %shift_left3A_979 = arith.shli %gather3A_976, %shift_left3A_978 : vector<16xi32>
      %add3A_980 = arith.addi %add3A_973, %shift_left3A_979 : vector<16xi32>
      %broadcast_in_dim3A_981 = arith.constant 5 : i32
      %broadcast_in_dim3A_982 = vector.broadcast %broadcast_in_dim3A_981 : i32 to vector<16xi32>
      %gather3A_983 = tpu.vector_load_idx %arg5[%add3A_950, %broadcast_in_dim3A_982] : memref<256x128xi32, #tpu.memory_space<vmem>>[vector<16xi32>, vector<16xi32>], vector<16xi32>,
      %shift_left3A_984 = arith.constant 5 : i32
      %shift_left3A_985 = vector.broadcast %shift_left3A_984 : i32 to vector<16xi32>
      %shift_left3A_986 = arith.shli %gather3A_983, %shift_left3A_985 : vector<16xi32>
      %add3A_987 = arith.addi %add3A_980, %shift_left3A_986 : vector<16xi32>
      %broadcast_in_dim3A_988 = arith.constant 6 : i32
      %broadcast_in_dim3A_989 = vector.broadcast %broadcast_in_dim3A_988 : i32 to vector<16xi32>
      %gather3A_990 = tpu.vector_load_idx %arg5[%add3A_950, %broadcast_in_dim3A_989] : memref<256x128xi32, #tpu.memory_space<vmem>>[vector<16xi32>, vector<16xi32>], vector<16xi32>,
      %shift_left3A_991 = arith.constant 6 : i32
      %shift_left3A_992 = vector.broadcast %shift_left3A_991 : i32 to vector<16xi32>
      %shift_left3A_993 = arith.shli %gather3A_990, %shift_left3A_992 : vector<16xi32>
      %add3A_994 = arith.addi %add3A_987, %shift_left3A_993 : vector<16xi32>
      %broadcast_in_dim3A_995 = arith.constant 7 : i32
      %broadcast_in_dim3A_996 = vector.broadcast %broadcast_in_dim3A_995 : i32 to vector<16xi32>
      %gather3A_997 = tpu.vector_load_idx %arg5[%add3A_950, %broadcast_in_dim3A_996] : memref<256x128xi32, #tpu.memory_space<vmem>>[vector<16xi32>, vector<16xi32>], vector<16xi32>,
      %shift_left3A_998 = arith.constant 7 : i32
      %shift_left3A_999 = vector.broadcast %shift_left3A_998 : i32 to vector<16xi32>
      %shift_left3A_1000 = arith.shli %gather3A_997, %shift_left3A_999 : vector<16xi32>
      %add3A_1001 = arith.addi %add3A_994, %shift_left3A_1000 : vector<16xi32>
      %gather3A_1002 = tpu.vector_load_idx %arg7[%add3A_1001] : memref<256xf32, #tpu.memory_space<vmem>>[vector<16xi32>], vector<16xf32>,
      %mul3A_1003 = arith.constant 16 : i32
      %mul3A_1004 = arith.muli %scan3A_946, %mul3A_1003 : i32
      %swap3A_1005 = arith.index_cast %mul3A_1004 : i32 to index
      %swap3A_1006 = tpu.vector_load %arg9[%swap3A_1005] {strides = array<i32>} : memref<256xf32, #tpu.memory_space<vmem>>, vector<16xf32>,
      tpu.vector_store %arg9[%swap3A_1005], %gather3A_1002 {strides = array<i32>} : memref<256xf32, #tpu.memory_space<vmem>>, vector<16xf32>,
      %scan3A_1007 = arith.constant 1 : i32
      %scan3A_1008 = arith.addi %scan3A_946, %scan3A_1007 : i32
      %mul3A_1009 = arith.constant 16 : i32
      %mul3A_1010 = arith.muli %scan3A_1008, %mul3A_1009 : i32
      %add3A_1011 = vector.broadcast %mul3A_1010 : i32 to vector<16xi32>
      %add3A_1012 = arith.addi %iota3A, %add3A_1011 : vector<16xi32>
      %broadcast_in_dim3A_1013 = arith.constant 0 : i32
      %broadcast_in_dim3A_1014 = vector.broadcast %broadcast_in_dim3A_1013 : i32 to vector<16xi32>
      %gather3A_1015 = tpu.vector_load_idx %arg5[%add3A_1012, %broadcast_in_dim3A_1014] : memref<256x128xi32, #tpu.memory_space<vmem>>[vector<16xi32>, vector<16xi32>], vector<16xi32>,
      %broadcast_in_dim3A_1016 = arith.constant 1 : i32
      %broadcast_in_dim3A_1017 = vector.broadcast %broadcast_in_dim3A_1016 : i32 to vector<16xi32>
      %gather3A_1018 = tpu.vector_load_idx %arg5[%add3A_1012, %broadcast_in_dim3A_1017] : memref<256x128xi32, #tpu.memory_space<vmem>>[vector<16xi32>, vector<16xi32>], vector<16xi32>,
      %shift_left3A_1019 = arith.constant 1 : i32
      %shift_left3A_1020 = vector.broadcast %shift_left3A_1019 : i32 to vector<16xi32>
      %shift_left3A_1021 = arith.shli %gather3A_1018, %shift_left3A_1020 : vector<16xi32>
      %add3A_1022 = arith.addi %gather3A_1015, %shift_left3A_1021 : vector<16xi32>
      %broadcast_in_dim3A_1023 = arith.constant 2 : i32
      %broadcast_in_dim3A_1024 = vector.broadcast %broadcast_in_dim3A_1023 : i32 to vector<16xi32>
      %gather3A_1025 = tpu.vector_load_idx %arg5[%add3A_1012, %broadcast_in_dim3A_1024] : memref<256x128xi32, #tpu.memory_space<vmem>>[vector<16xi32>, vector<16xi32>], vector<16xi32>,
      %shift_left3A_1026 = arith.constant 2 : i32
      %shift_left3A_1027 = vector.broadcast %shift_left3A_1026 : i32 to vector<16xi32>
      %shift_left3A_1028 = arith.shli %gather3A_1025, %shift_left3A_1027 : vector<16xi32>
      %add3A_1029 = arith.addi %add3A_1022, %shift_left3A_1028 : vector<16xi32>
      %broadcast_in_dim3A_1030 = arith.constant 3 : i32
      %broadcast_in_dim3A_1031 = vector.broadcast %broadcast_in_dim3A_1030 : i32 to vector<16xi32>
      %gather3A_1032 = tpu.vector_load_idx %arg5[%add3A_1012, %broadcast_in_dim3A_1031] : memref<256x128xi32, #tpu.memory_space<vmem>>[vector<16xi32>, vector<16xi32>], vector<16xi32>,
      %shift_left3A_1033 = arith.constant 3 : i32
      %shift_left3A_1034 = vector.broadcast %shift_left3A_1033 : i32 to vector<16xi32>
      %shift_left3A_1035 = arith.shli %gather3A_1032, %shift_left3A_1034 : vector<16xi32>
      %add3A_1036 = arith.addi %add3A_1029, %shift_left3A_1035 : vector<16xi32>
      %broadcast_in_dim3A_1037 = arith.constant 4 : i32
      %broadcast_in_dim3A_1038 = vector.broadcast %broadcast_in_dim3A_1037 : i32 to vector<16xi32>
      %gather3A_1039 = tpu.vector_load_idx %arg5[%add3A_1012, %broadcast_in_dim3A_1038] : memref<256x128xi32, #tpu.memory_space<vmem>>[vector<16xi32>, vector<16xi32>], vector<16xi32>,
      %shift_left3A_1040 = arith.constant 4 : i32
      %shift_left3A_1041 = vector.broadcast %shift_left3A_1040 : i32 to vector<16xi32>
      %shift_left3A_1042 = arith.shli %gather3A_1039, %shift_left3A_1041 : vector<16xi32>
      %add3A_1043 = arith.addi %add3A_1036, %shift_left3A_1042 : vector<16xi32>
      %broadcast_in_dim3A_1044 = arith.constant 5 : i32
      %broadcast_in_dim3A_1045 = vector.broadcast %broadcast_in_dim3A_1044 : i32 to vector<16xi32>
      %gather3A_1046 = tpu.vector_load_idx %arg5[%add3A_1012, %broadcast_in_dim3A_1045] : memref<256x128xi32, #tpu.memory_space<vmem>>[vector<16xi32>, vector<16xi32>], vector<16xi32>,
      %shift_left3A_1047 = arith.constant 5 : i32
      %shift_left3A_1048 = vector.broadcast %shift_left3A_1047 : i32 to vector<16xi32>
      %shift_left3A_1049 = arith.shli %gather3A_1046, %shift_left3A_1048 : vector<16xi32>
      %add3A_1050 = arith.addi %add3A_1043, %shift_left3A_1049 : vector<16xi32>
      %broadcast_in_dim3A_1051 = arith.constant 6 : i32
      %broadcast_in_dim3A_1052 = vector.broadcast %broadcast_in_dim3A_1051 : i32 to vector<16xi32>
      %gather3A_1053 = tpu.vector_load_idx %arg5[%add3A_1012, %broadcast_in_dim3A_1052] : memref<256x128xi32, #tpu.memory_space<vmem>>[vector<16xi32>, vector<16xi32>], vector<16xi32>,
      %shift_left3A_1054 = arith.constant 6 : i32
      %shift_left3A_1055 = vector.broadcast %shift_left3A_1054 : i32 to vector<16xi32>
      %shift_left3A_1056 = arith.shli %gather3A_1053, %shift_left3A_1055 : vector<16xi32>
      %add3A_1057 = arith.addi %add3A_1050, %shift_left3A_1056 : vector<16xi32>
      %broadcast_in_dim3A_1058 = arith.constant 7 : i32
      %broadcast_in_dim3A_1059 = vector.broadcast %broadcast_in_dim3A_1058 : i32 to vector<16xi32>
      %gather3A_1060 = tpu.vector_load_idx %arg5[%add3A_1012, %broadcast_in_dim3A_1059] : memref<256x128xi32, #tpu.memory_space<vmem>>[vector<16xi32>, vector<16xi32>], vector<16xi32>,
      %shift_left3A_1061 = arith.constant 7 : i32
      %shift_left3A_1062 = vector.broadcast %shift_left3A_1061 : i32 to vector<16xi32>
      %shift_left3A_1063 = arith.shli %gather3A_1060, %shift_left3A_1062 : vector<16xi32>
      %add3A_1064 = arith.addi %add3A_1057, %shift_left3A_1063 : vector<16xi32>
      %gather3A_1065 = tpu.vector_load_idx %arg7[%add3A_1064] : memref<256xf32, #tpu.memory_space<vmem>>[vector<16xi32>], vector<16xf32>,
      %mul3A_1066 = arith.constant 16 : i32
      %mul3A_1067 = arith.muli %scan3A_1008, %mul3A_1066 : i32
      %swap3A_1068 = arith.index_cast %mul3A_1067 : i32 to index
      %swap3A_1069 = tpu.vector_load %arg9[%swap3A_1068] {strides = array<i32>} : memref<256xf32, #tpu.memory_space<vmem>>, vector<16xf32>,
      tpu.vector_store %arg9[%swap3A_1068], %gather3A_1065 {strides = array<i32>} : memref<256xf32, #tpu.memory_space<vmem>>, vector<16xf32>,
    }
    %scan3A_945 = arith.constant 16 : i32
    "tpu.region"() ({
      %run_scoped3A = tpu.sem_alloc : memref<!tpu.dma_semaphore, #tpu.memory_space<semaphore_mem>>
      %dma_start3A_946 = tpu.memref_slice %arg4[%mul3A_2] : memref<8192xf32, #tpu.memory_space<hbm>> -> memref<256xf32, #tpu.memory_space<hbm>>
      %dma_start3A_947 = tpu.memref_slice %arg4[%mul3A_2] : memref<8192xf32, #tpu.memory_space<hbm>> -> memref<256xf32, #tpu.memory_space<hbm>>
      tpu.enqueue_dma source(%arg9 : memref<256xf32, #tpu.memory_space<vmem>>) target(%dma_start3A_947 : memref<256xf32, #tpu.memory_space<hbm>>) target_semaphore(%run_scoped3A : memref<!tpu.dma_semaphore, #tpu.memory_space<semaphore_mem>>)
      %dma_wait3A_948 = tpu.memref_slice %arg4[%mul3A_2] : memref<8192xf32, #tpu.memory_space<hbm>> -> memref<256xf32, #tpu.memory_space<hbm>>
      %dma_wait3A_949 = tpu.memref_slice %arg4[%mul3A_2] : memref<8192xf32, #tpu.memory_space<hbm>> -> memref<256xf32, #tpu.memory_space<hbm>>
      tpu.wait_dma2 semaphore(%run_scoped3A : memref<!tpu.dma_semaphore, #tpu.memory_space<semaphore_mem>>) src(%arg9 : memref<256xf32, #tpu.memory_space<vmem>>) dst(%dma_wait3A_949 : memref<256xf32, #tpu.memory_space<hbm>>)
      tpu.yield
    }) : () -> ()
    return
  }
}

module attributes {stable_mosaic.version = 14 : i64} {
  func.func @_tc_body(%arg0: i32, %arg1: memref<2048x128xi32, #tpu.memory_space<vmem>>, %arg2: memref<255xf32, #tpu.memory_space<vmem>>, %arg3: memref<256x255xf32, #tpu.memory_space<vmem>>, %arg4: memref<128xf32, #tpu.memory_space<vmem>>, %arg5: memref<16x128xf32, #tpu.memory_space<vmem>>) attributes {dimension_semantics = [#tpu.dimension_semantics<arbitrary>], iteration_bounds = array<i64: 4>, scalar_prefetch = 0 : i64, scratch_operands = 0 : i64, tpu.core_type = #tpu.core_type<tc>, window_params = [{transform_indices = @transform_0, window_bounds = array<i64: 2048, 128>}, {pipeline_mode = #tpu.pipeline_mode<synchronous>, transform_indices = @transform_1, window_bounds = array<i64: 255>}, {pipeline_mode = #tpu.pipeline_mode<synchronous>, transform_indices = @transform_2, window_bounds = array<i64: 256, 255>}, {pipeline_mode = #tpu.pipeline_mode<synchronous>, transform_indices = @transform_3, window_bounds = array<i64: 128>}, {transform_indices = @transform_4, window_bounds = array<i64: 16, 128>}]} {
    %get3A = arith.constant 0 : index
    %get3A_0 = arith.constant 0 : index
    %get3A_1 = vector.load %arg3[%get3A, %get3A_0] : memref<256x255xf32, #tpu.memory_space<vmem>>, vector<256x255xf32>
    %get3A_2 = arith.constant 0 : index
    %get3A_3 = vector.load %arg4[%get3A_2] : memref<128xf32, #tpu.memory_space<vmem>>, vector<128xf32>
    %get3A_4 = arith.constant 0 : index
    %get3A_5 = vector.load %arg2[%get3A_4] : memref<255xf32, #tpu.memory_space<vmem>>, vector<255xf32>
    %dot_general3A = arith.constant dense<0.000000e+00> : vector<256xf32>
    %dot_general3A_6 = tpu.matmul %get3A_1, %get3A_5, %dot_general3A {dimension_numbers = #tpu.dot_dimension_numbers<[1], [0], [0], [], [0, 0], [], []>, transpose_lhs_hint = false} : vector<256x255xf32>, vector<255xf32>, vector<256xf32> -> vector<256xf32>
    %get3A_7 = arith.constant 0 : index
    %get3A_8 = arith.constant 0 : index
    %get3A_9 = vector.load %arg1[%get3A_7, %get3A_8] : memref<2048x128xi32, #tpu.memory_space<vmem>>, vector<2048x128xi32>
    %convert_element_type3A = arith.sitofp %get3A_9 : vector<2048x128xi32> to vector<2048x128xf32>
    %reshape3A = vector.shape_cast %convert_element_type3A : vector<2048x128xf32> to vector<16x128x128xf32>
    %dot_general3A_10 = arith.constant dense<0.000000e+00> : vector<16x128xf32>
    %dot_general3A_11 = tpu.matmul %reshape3A, %get3A_3, %dot_general3A_10 {dimension_numbers = #tpu.dot_dimension_numbers<[2], [0], [0, 1], [], [0, 0, 0, 1], [], []>, transpose_lhs_hint = false} : vector<16x128x128xf32>, vector<128xf32>, vector<16x128xf32> -> vector<16x128xf32>
    %convert_element_type3A_12 = arith.fptosi %dot_general3A_11 : vector<16x128xf32> to vector<16x128xi32>
    %broadcast_in_dim3A = vector.shape_cast %convert_element_type3A_12 : vector<16x128xi32> to vector<16x128x1xi32>
    %iota3A = tpu.iota {dimensions = array<i32: 2>} : vector<1x1x256xi32>
    %eq3A = vector.broadcast %broadcast_in_dim3A : vector<16x128x1xi32> to vector<16x128x256xi32>
    %eq3A_13 = vector.broadcast %iota3A : vector<1x1x256xi32> to vector<16x128x256xi32>
    %eq3A_14 = arith.cmpi eq, %eq3A, %eq3A_13 : vector<16x128x256xi32>
    %convert_element_type3A_15 = arith.extui %eq3A_14 : vector<16x128x256xi1> to vector<16x128x256xi32>
    %convert_element_type3A_16 = arith.sitofp %convert_element_type3A_15 : vector<16x128x256xi32> to vector<16x128x256xf32>
    %dot_general3A_17 = arith.constant dense<0.000000e+00> : vector<16x128xf32>
    %dot_general3A_18 = tpu.matmul %convert_element_type3A_16, %dot_general3A_6, %dot_general3A_17 {dimension_numbers = #tpu.dot_dimension_numbers<[2], [0], [0, 1], [], [0, 0, 0, 1], [], []>, transpose_lhs_hint = false} : vector<16x128x256xf32>, vector<256xf32>, vector<16x128xf32> -> vector<16x128xf32>
    %swap3A = arith.constant 0 : index
    %swap3A_19 = arith.constant 0 : index
    %swap3A_20 = vector.load %arg5[%swap3A, %swap3A_19] : memref<16x128xf32, #tpu.memory_space<vmem>>, vector<16x128xf32>
    tpu.vector_store %arg5[%swap3A, %swap3A_19], %dot_general3A_18 {strides = array<i32>} : memref<16x128xf32, #tpu.memory_space<vmem>>, vector<16x128xf32>,
    return
  }
  func.func @transform_0(%arg0: i32) -> (i32, i32) {
    %add3A = arith.constant 4 : i32
    %add3A_0 = arith.addi %arg0, %add3A : i32
    %c0_i32 = arith.constant 0 : i32
    %c0_i32_1 = arith.constant 0 : i32
    return %add3A_0, %c0_i32 : i32, i32
  }
  func.func @transform_1(%arg0: i32) -> i32 {
    %c0_i32 = arith.constant 0 : i32
    %c0_i32_0 = arith.constant 0 : i32
    return %c0_i32 : i32
  }
  func.func @transform_2(%arg0: i32) -> (i32, i32) {
    %c0_i32 = arith.constant 0 : i32
    %c0_i32_0 = arith.constant 0 : i32
    %c0_i32_1 = arith.constant 0 : i32
    return %c0_i32, %c0_i32_0 : i32, i32
  }
  func.func @transform_3(%arg0: i32) -> i32 {
    %c0_i32 = arith.constant 0 : i32
    %c0_i32_0 = arith.constant 0 : i32
    return %c0_i32 : i32
  }
  func.func @transform_4(%arg0: i32) -> (i32, i32) {
    %c0_i32 = arith.constant 0 : i32
    %c0_i32_0 = arith.constant 0 : i32
    return %arg0, %c0_i32 : i32, i32
  }
}

</mosaic_0001>

<sc_bundles>
// kernel: kernel.4.cloned.1.call-start
scs
__scs_entry_jumppad:
0x0: {  	(pc) =	sbr.rel $0x88, $3  }
0x1: {  	(tag) =	ssettag $0x0;
	lr =	simm.s32 $0x1  }
0x2: {  	[smem:$0x3F9F] =	sst lr;
	_ =	strace $0xD0000000  }
0x3: {  	_ = 	snop  }
0x4: {  	_ = 	snop  }
0x5: {  	_ = 	snop  }
0x6: {  	_ = 	snop  }
0x7: {  	_ = 	snop  }
__scs_overlays_trampoline_lowered:
0x8: {  	[smem:$0x3FAE] =	sst s0  }
0x9: {  	[smem:$0x3FAF] =	sst s1  }
0xa: {  	[smem:$0x3FB0] =	sst s2  }
0xb: {  	[smem:$0x3FB1] =	sst s3  }
0xc: {  	[smem:$0x3FB2] =	sst s4  }
0xd: {  	[smem:$0x3FB3] =	sst s5  }
0xe: {  	[smem:$0x3FB4] =	sst s6  }
0xf: {  	[smem:$0x3FB5] =	sst s7  }
0x10: {  	[smem:$0x3FB6] =	sst s8  }
0x11: {  	[smem:$0x3FB7] =	sst s9;
	s0 =	simm.s32 @!p0 $0x0  }
0x12: {  	s1 =	sld [smem:$0x3F9D];
	s0 =	simm.s32 @p0 $0x1  }
0x13: {  	[smem:$0x3FB8] =	sst s0;
	s0 =	simm.s32 @!p1 $0x0  }
0x14: {  	s2 =	sld [smem:$0x3F9C];
	s0 =	simm.s32 @p1 $0x1  }
0x15: {  	[smem:$0x3FB9] =	sst s0;
	s0 =	simm.s32 @!p2 $0x0  }
0x16: {  	s3 =	sld [smem:$0x3FDB];
	s0 =	simm.s32 @p2 $0x1  }
0x17: {  	s4 =	simm.s32 $0x1BF5;
	[smem:$0x3FBB] =	sst s0  }
0x18: {  	s0 =	sld [smem:$0x3F9E];
	_ =	swait.ge [sflag:s4], $0x0  }
0x19: {  	s7 =	sld [smem:$0x3F9F]  }
0x1a: {  	s8 =	sadd.s32 $0xFFFFE003, lr  }
0x1b: {  	s9 =	sadd.s32 $0xFFFFFEF7, lr;
	s5 =	simm.s32 $0xFFFFFFFF;
	p2 =	slt.u32 s8, $0xFFFFF086  }
0x1c: {  	p1 =	slt.u32 s9, $0xF7A;
	s5 =	simm.s32 @!p2 $0x0  }
0x1d: {  	s5 =	simm.s32 @p1 $0x1;
	p0 =	seq.s32 s7, s2  }
0x1e: {  	s7 =	smul.u32 @!p0 $0xF7A, s2;
	p2 =	seq.s32 @!p0 s5, $0x0  }
0x1f: {  	s9 =	smul.u32 $0xF7A, s1;
	s8 =	simm.s32 @!p0 $0x1BF5;
	p2 =	por !p2, p0  }
0x20: {  	[sflag:s8] =	ssyncset.s32 @!p0 $0xFFFFF086;
	s6 =	sadd.s32 @!p0 s3, s7;
	s7 =	simm.s32 @!p0 $0x108  }
0x21: {  	s3 =	sadd.s32 s3, s9;
	s6 =	sadd.s32 @!p0 $0x88, s6;
	s7 =	simm.s32 @p2 $0x1082  }
0x22: {  	[simem:s7], [sflag:s8] =	dma.local @!p0 [hbm:s6], $0xF7A  }
0x23: {  	s9 =	sor.u32 $0xD0000000, s2;
	s6 =	simm.s32 $0x108;
	_ =	swait.ge @!p0 [sflag:s8], $0x0  }
0x24: {  	s3 =	sadd.s32 $0x88, s3;
	s6 =	simm.s32 @!p1 $0x1082;
	[sflag:s4] =	ssyncset.s32 $0xFFFFF086  }
0x25: {  	[simem:s6], [sflag:s4] =	dma.local [hbm:s3], $0xF7A  }
0x26: {  	[smem:$0x3F9F] =	sst s1;
	(tag) =	ssettag s2;
	_ =	strace s9  }
0x27: {  	s1 =	sld [smem:$0x3FAF]  }
0x28: {  	s2 =	sld [smem:$0x3FB0]  }
0x29: {  	s4 =	sld [smem:$0x3FB2]  }
0x2a: {  	p0 =	seq.s32 s5, $0x0;
	s5 =	sld [smem:$0x3FB3]  }
0x2b: {  	s6 =	sld [smem:$0x3FB4]  }
0x2c: {  	s7 =	sld [smem:$0x3FB5]  }
0x2d: {  	s3 =	simm.s32 $0x108;
	s8 =	sld [smem:$0x3FB6]  }
0x2e: {  	s3 =	simm.s32 @!p0 $0x1082;
	s9 =	sld [smem:$0x3FB7]  }
0x2f: {  	lr =	sadd.s32 s0, s3;
	s0 =	sld [smem:$0x3FAE]  }
0x30: {  	s3 =	sld [smem:$0x3FB1]  }
0x31: {  	[smem:$0x3FBA] =	sst s10  }
0x32: {  	s10 =	sld [smem:$0x3FB8];
	_ =	sdelay $0x3  }
0x33: {  	p0 =	seq.s32 s10, $0x1;
	s10 =	sld [smem:$0x3FBA];
	_ =	sdelay $0x3  }
0x34: {  	[smem:$0x3FBA] =	sst s10  }
0x35: {  	s10 =	sld [smem:$0x3FB9];
	_ =	sdelay $0x3  }
0x36: {  	p1 =	seq.s32 s10, $0x1;
	s10 =	sld [smem:$0x3FBA];
	_ =	sdelay $0x3  }
0x37: {  	[smem:$0x3FBA] =	sst s10  }
0x38: {  	s10 =	sld [smem:$0x3FBB]  }
0x39: {  	_ = 	snop;
	(pc) =	sbr.ind lr, $3  }
0x3a: {  	_ = 	snop  }
0x3b: {  	_ = 	snop  }
0x3c: {  	p2 =	seq.s32 s10, $0x1;
	s10 =	sld [smem:$0x3FBA]  }
0x3d: {  	_ =	shalt  }
0x3e: {  	_ =	shalt  }
0x3f: {  	_ =	shalt  }
0x40: {  	_ =	shalt  }
0x41: {  	_ =	shalt  }
0x42: {  	_ =	shalt  }
0x43: {  	_ =	shalt  }
0x44: {  	_ =	shalt  }
0x45: {  	_ =	shalt  }
0x46: {  	_ =	shalt  }
0x47: {  	_ =	shalt  }
0x48: {  	_ =	shalt  }
0x49: {  	_ =	shalt  }
0x4a: {  	_ =	shalt  }
0x4b: {  	_ =	shalt  }
0x4c: {  	_ =	shalt  }
0x4d: {  	_ =	shalt  }
0x4e: {  	_ =	shalt  }
0x4f: {  	_ =	shalt  }
0x50: {  	_ =	shalt  }
0x51: {  	_ =	shalt  }
0x52: {  	_ =	shalt  }
0x53: {  	_ =	shalt  }
0x54: {  	_ =	shalt  }
0x55: {  	_ =	shalt  }
0x56: {  	_ =	shalt  }
0x57: {  	_ =	shalt  }
0x58: {  	_ =	shalt  }
0x59: {  	_ =	shalt  }
0x5a: {  	_ =	shalt  }
0x5b: {  	_ =	shalt  }
0x5c: {  	_ =	shalt  }
0x5d: {  	_ =	shalt  }
0x5e: {  	_ =	shalt  }
0x5f: {  	_ =	shalt  }
0x60: {  	_ =	shalt  }
0x61: {  	_ =	shalt  }
0x62: {  	_ =	shalt  }
0x63: {  	_ =	shalt  }
0x64: {  	_ =	shalt  }
0x65: {  	_ =	shalt  }
0x66: {  	_ =	shalt  }
0x67: {  	_ =	shalt  }
0x68: {  	_ =	shalt  }
0x69: {  	_ =	shalt  }
0x6a: {  	_ =	shalt  }
0x6b: {  	_ =	shalt  }
0x6c: {  	_ =	shalt  }
0x6d: {  	_ =	shalt  }
0x6e: {  	_ =	shalt  }
0x6f: {  	_ =	shalt  }
0x70: {  	_ =	shalt  }
0x71: {  	_ =	shalt  }
0x72: {  	_ =	shalt  }
0x73: {  	_ =	shalt  }
0x74: {  	_ =	shalt  }
0x75: {  	_ =	shalt  }
0x76: {  	_ =	shalt  }
0x77: {  	_ =	shalt  }
0x78: {  	_ =	shalt  }
0x79: {  	_ =	shalt  }
0x7a: {  	_ =	shalt  }
0x7b: {  	_ =	shalt  }
0x7c: {  	_ =	shalt  }
0x7d: {  	_ =	shalt  }
0x7e: {  	_ =	shalt  }
0x7f: {  	_ =	shalt  }
0x80: {  	_ =	shalt  }
0x81: {  	_ =	shalt  }
0x82: {  	_ =	shalt  }
0x83: {  	_ =	shalt  }
0x84: {  	_ =	shalt  }
0x85: {  	_ =	shalt  }
0x86: {  	_ =	shalt  }
0x87: {  	_ =	shalt  }
.Lfunc_end0:
.L_simem_size_0:
called_computation_lowered:
.L_overlay_start_0:
0x88: {  	s2 =	sld [smem:$0x3FD9]  }
0x89: {  	s3 =	sld [smem:$0x3FFE];
	_ =	sdelay $0x1  }
0x8a: {  	s1 =	srdreg.scid  }
0x8b: {  	s0 =	sand.u32 $0x1, s1  }
0x8c: {  	s17 =	sshll.u32 s0, $0xA;
	s2 =	sadd.s32 s3, s2  }
0x8d: {  	s2 =	sadd.s32 s2, s17  }
0x8e: {  	[smem:$0x3FC6] =	sst s2  }
0x8f: {  	_ = 	snop  }
0x90: {  	s2 =	sld [smem:$0x3FC9]  }
0x91: {  	s18 =	sld [smem:$0x3FC8];
	(tm) =	ssettm $0x1  }
0x92: {  	s4 =	sld [smem:$0x3FFB];
	_ =	sdelay $0x3  }
0x93: {  	_ =	strace s4  }
0x94: {  	s4 =	sld [smem:$0x3FFC];
	_ =	sdelay $0x3  }
0x95: {  	_ =	strace s4  }
0x96: {  	s4 =	sld [smem:$0x3FFD];
	_ =	sdelay $0x3  }
0x97: {  	_ =	strace s4  }
0x98: {  	_ =	strace $0x8FFFFFFF  }
0x99: {  	s19 =	sld [smem:$0x3FDB];
	_ =	sdelay $0x1  }
0x9a: {  	s5 =	simm.s32 $_scs_section_size  }
0x9b: {  	s6 =	simm.s32 $_size__tile_overlayer_lowered;
	s7 =	simm.s32 $_tile_overlayer_lowered  }
0x9c: {  	s22 =	simm.s32 $0x1BFF;
	s21 =	sshll.u32 s7, $0x1;
	s4 =	sadd.s32 s5, s19  }
0x9d: {  	s8 =	simm.s32 $0x0;
	s20 =	sshll.u32 s6, $0x1;
	s6 =	sadd.s32 s21, s4  }
0x9e: {  	[timem:s8], [sflag:s22] =	dma.local [hbm:s6], s20  }
0x9f: {  	_ =	swait.ge [sflag:s22], s20  }
0xa0: {  	s5 =	ssub.s32 $0x0, s20;
	[sflag:s22] =	ssyncset.done $0x0  }
0xa1: {  	[sflag:s22] =	ssyncadd.s32 s5;
	_ =	sdelay $0x1  }
0xa2: {  	s23 =	simm.s32 $0x1B8B  }
0xa3: {  	_ =	swait.ge [sflag:s23], $0x1  }
0xa4: {  	[sflag:s23] =	ssyncset.done $0x0  }
0xa5: {  	s25 =	simm.s32 $0x1B8E;
	s24 =	sld [smem:$0x3FFE];
	[sflag:s23] =	ssyncadd.s32 $0xFFFFFFFF  }
0xa6: {  	s26 =	simm.s32 $execute0_lowered;
	[smem:$0x3FD2] =	sst s25  }
0xa7: {  	s6 =	sshll.u32 s26, $0x1;
	_ =	strace $0x80000046;
	[dreg:$0x1] =	wrdreg $0xFFFFFFFF  }
0xa8: {  	s28 =	simm.s32 $_size_execute0_lowered;
	s4 =	sadd.s32 s4, s6;
	[dreg:$0x0] =	wrdreg $0x0  }
0xa9: {  	s6 =	sshll.u32 s28, $0x1;
	[dreg:$0x2] =	wrdreg s4  }
0xaa: {  	[dreg:$0x3] =	wrdreg s6  }
0xab: {  	[dreg:$0x4] =	wrdreg $0xC0  }
0xac: {  	_ =	task [dreg:s8], $0x5FFFF  }
0xad: {  	[dreg:$0x1] =	wrdreg $0xFFFFFFFF  }
0xae: {  	[dreg:$0x0] =	wrdreg $0x60  }
0xaf: {  	[dreg:$0x2] =	wrdreg s2  }
0xb0: {  	[dreg:$0x3] =	wrdreg s18  }
0xb1: {  	[dreg:$0x4] =	wrdreg s24  }
0xb2: {  	[dreg:$0x5] =	wrdreg $0x9  }
0xb3: {  	_ =	task.clear_ibuf [dreg:s8], $0x6FFFF;
	_ =	strace $0x90000046  }
0xb4: {  	s29 =	simm.s32 $0x9;
	_ =	strace $0x80000048  }
0xb5: {  	_ =	swait.ge [sflag:s29], $0x1  }
0xb6: {  	[sflag:s29] =	ssyncadd.s32 $0xFFFFFFFF  }
0xb7: {  	_ =	strace $0x90000048  }
0xb8: {  	_ =	sfence  }
0xb9: {  	s30 =	sld [smem:$0x0];
	_ =	sdelay $0x2  }
0xba: {  	s31 =	sshll.u32 s1, $0xD;
	s1 =	sshrl.u32 s1, $0x2  }
0xbb: {  	s3 =	sand.u32 $0x4000, s31;
	s1 =	sadd.s32 s1, s30  }
0xbc: {  	s0 =	sor.u32 s3, s0;
	s1 =	sshll.u32 s1, $0x11  }
0xbd: {  	s0 =	sor.u32 s1, s0  }
0xbe: {  	s0 =	sadd.s32 $0x8F2B, s0  }
0xbf: {  	[sflag:s0] =	ssyncadd.remote.s32 $0x1  }
0xc0: {  	_ =	sfence.sel $0xFFFF  }
0xc1: {  	[dreg:$0x0] =	wrdreg $0xFFFFFFFF;
	(pc) =	sbr.abs _section_cstart, $3  }
0xc2: {  	[dreg:$0x1] =	wrdreg $0xFFFFFFFF  }
0xc3: {  	_ =	task.clear_ibuf [dreg:s8], $0x2FFFF;
	_ =	strace $0x9FFFFFFF  }
0xc4: {  	(tm) =	ssettm $0x7FFFFFFF  }
0xc5: {  	_ =	shalt  }
tec
execute0_lowered:
.L_overlay_start_1:
0x0: {  	(tag) =	ssettag $0x1  }
0x1: {  	v0 =	vimm.s32 $0xDAC5B693;
	vm14 =	vcmask $0x300;
	vm13 =	vcmask $0x704  }
0x2: {  	vm12 =	vcmask $0xB08;
	vm11 =	vcmask $0xF0C;
	vm10 =	vcmask $0x1310  }
0x3: {  	vm9 =	vcmask $0x1714;
	vm8 =	vcmask $0x1B18;
	vm7 =	vcmask $0x1F1C  }
0x4: {  	vm6 =	vcmask $0x2320;
	vm5 =	vcmask $0x2724;
	vm4 =	vcmask $0x2B28  }
0x5: {  	vm3 =	vcmask $0x2F2C;
	vm2 =	vcmask $0x3330;
	vm1 =	vcmask $0x3734  }
0x6: {  	v1 =	vimm.s32 $0xF6EFE9D4;
	vm0 =	vcmask $0x3B38;
	v2 =	vimm.s32 $0xF7F0EAD5  }
0x7: {  	v3 =	vimm.s32 $0xFEFDFCF5;
	v0 =	vsel vm14, $0x8010000, v0;
	v1 =	vsel vm14, $0x28130D06, v1  }
0x8: {  	v2 =	vsel vm14, $0x29140E07, v2;
	v3 =	vsel vm14, $0x6A473823, v3;
	v0 =	vsel vm13, $0x240F0902, v0  }
0x9: {  	v1 =	vsel vm13, $0x5F3C2D18, v1;
	v2 =	vsel vm13, $0x603D2E19, v2;
	v3 =	vsel vm13, $0xAB887451, v3  }
0xa: {  	v0 =	vsel vm12, $0x25100A03, v0;
	v1 =	vsel vm12, $0x6340311C, v1;
	v2 =	vsel vm12, $0x6441321D, v2  }
0xb: {  	v3 =	vsel vm12, $0xB18E7A57, v3;
	v0 =	vsel vm11, $0x5C392A15, v0;
	v1 =	vsel vm11, $0xA4816D4A, v1  }
0xc: {  	v2 =	vsel vm11, $0xA5826E4B, v2;
	v3 =	vsel vm11, $0xDFCABB98, v3;
	v0 =	vsel vm10, $0x26110B04, v0  }
0xd: {  	v1 =	vsel vm10, $0x6643341F, v1;
	v2 =	vsel vm10, $0x67443520, v2;
	v3 =	vsel vm10, $0xB4917D5A, v3  }
0xe: {  	v0 =	vsel vm9, $0x5D3A2B16, v0;
	v1 =	vsel vm9, $0xA784704D, v1;
	v2 =	vsel vm9, $0xA885714E, v2  }
0xf: {  	v3 =	vsel vm9, $0xE2CDBE9B, v3;
	v0 =	vsel vm8, $0x613E2F1A, v0;
	v1 =	vsel vm8, $0xAD8A7653, v1  }
0x10: {  	v2 =	vsel vm8, $0xAE8B7754, v2;
	v3 =	vsel vm8, $0xE6D1C29F, v3;
	v0 =	vsel vm7, $0xA27F6B48, v0  }
0x11: {  	v1 =	vsel vm7, $0xDBC6B794, v1;
	v2 =	vsel vm7, $0xDCC7B895, v2;
	v3 =	vsel vm7, $0xF8F1EBD6, v3  }
0x12: {  	v0 =	vsel vm6, $0x27120C05, v0;
	v1 =	vsel vm6, $0x68453621, v1;
	v2 =	vsel vm6, $0x69463722, v2  }
0x13: {  	v3 =	vsel vm6, $0xB5927E5B, v3;
	v0 =	vsel vm5, $0x5E3B2C17, v0;
	v1 =	vsel vm5, $0xA986724F, v1  }
0x14: {  	v2 =	vsel vm5, $0xAA877350, v2;
	v3 =	vsel vm5, $0xE3CEBF9C, v3;
	v0 =	vsel vm4, $0x623F301B, v0  }
0x15: {  	v1 =	vsel vm4, $0xAF8C7855, v1;
	v2 =	vsel vm4, $0xB08D7956, v2;
	v3 =	vsel vm4, $0xE7D2C3A0, v3  }
0x16: {  	s4 =	rddreg [dreg:$0x0];
	v0 =	vsel vm3, $0xA3806C49, v0;
	v1 =	vsel vm3, $0xDDC8B996, v1;
	v2 =	vsel vm3, $0xDEC9BA97, v2  }
0x17: {  	s0 =	rddreg [dreg:$0x1];
	v3 =	vsel vm3, $0xF9F2ECD7, v3;
	v0 =	vsel vm2, $0x6542331E, v0;
	v1 =	vsel vm2, $0xB28F7B58, v1  }
0x18: {  	s5 =	rddreg [dreg:$0x2];
	s3 =	srdreg.scid;
	v2 =	vsel vm2, $0xB3907C59, v2;
	v4 =	vsel vm2, $0xE8D3C4A1, v3;
	v3 =	vlaneseq.u32  }
0x19: {  	s1 =	rddreg [dreg:$0x3];
	s2 =	stileid.u32;
	s10 =	simm.s32 $0x2;
	v0 =	vsel vm1, $0xA6836F4C, v0;
	v1 =	vsel vm1, $0xE0CBBC99, v1;
	v2 =	vsel vm1, $0xE1CCBD9A, v2  }
0x1a: {  	s11 =	simm.s32 $0x8200;
	s12 =	simm.s32 $0x1;
	s13 =	simm.s32 $0x8100;
	v5 =	vsel vm1, $0xFAF3EDD8, v4;
	v4 =	vshrl.u32 v3, $0x2;
	v6 =	vand.u32 $0x3, v3  }
0x1b: {  	s14 =	simm.s32 $0x8280;
	s15 =	simm.s32 $0x0;
	s6 =	sand.u32 $0x1, s3;
	v22 =	vmul.u32 $0x2, v3;
	v0 =	vsel vm0, $0xAC897552, v0;
	v1 =	vsel vm0, $0xE4CFC09D, v1  }
0x1c: {  	s3 =	simm.s32 $0x0;
	s7 =	sshll.u32 s2, $0x9;
	s8 =	sshll.u32 s6, $0x8;
	v2 =	vsel vm0, $0xE5D0C19E, v2;
	v5 =	vsel vm0, $0xFBF4EED9, v5;
	v6 =	vmul.u32 $0x8, v6  }
0x1d: {  	[smem:$0x7FF] =	sst s3;
	s6 =	ssub.s32 $0x2, s6;
	s7 =	sor.u32 s8, s7;
	v7 =	vor.u32 $0x4, v4;
	v8 =	vor.u32 $0x8, v4;
	v9 =	vor.u32 $0xC, v4  }
0x1e: {  	_ =	strace $0x80000047;
	s9 =	sshrl.u32 s6, $0x1;
	s8 =	sshrl.u32 s7, $0x3;
	v10 =	vor.u32 $0x10, v4;
	v11 =	vor.u32 $0x14, v4;
	v12 =	vor.u32 $0x18, v4  }
0x1f: {  	s6 =	ssub.s32 s6, s9;
	s7 =	sshll.u32 s7, $0x5;
	s9 =	simm.s32 $0x8000;
	v13 =	vor.u32 $0x1C, v4;
	v14 =	vor.u32 $0x20, v4;
	v15 =	vor.u32 $0x24, v4  }
0x20: {  	s5 =	sadd.s32 s8, s5;
	s4 =	sadd.s32 s4, s7;
	s6 =	smax.u32 s6, $0x1;
	v16 =	vor.u32 $0x28, v4;
	v17 =	vor.u32 $0x2C, v4;
	v18 =	vor.u32 $0x30, v4  }
0x21: {  	s7 =	simm.s32 $0x400;
	s8 =	simm.s32 $0x800;
	s5 =	sadd.s32 $0xC00, s5;
	v19 =	vor.u32 $0x34, v4;
	v20 =	vor.u32 $0x38, v4;
	v21 =	vor.u32 $0x3C, v4  }
.LBB2_1:
0x22: {  	[tilespmem:s3], [sflag:$0x1] =	stream.strided.gather [hbm4b:s4+s7], $0x8000, s8, s7, $0x38;
	[tilespmem:$0x8380] =	vst v63  }
0x23: {  	_ = 	snop  }
0x24: {  	[tilespmem:s9], [sflag:$0x2] =	stream.linear.gather [hbm4b:s0+s3], $0xFF, $0x38;
	[tilespmem:$0x8380] =	vst v63  }
0x25: {  	_ =	swait.ge [sflag:s10], $0xFF  }
0x26: {  	[sflag:s10] =	ssyncset.done $0x0  }
0x27: {  	[sflag:s10] =	ssyncadd.s32 $0xFFFFFF01  }
0x28: {  	[tilespmem:$0x8200] =	vst v0  }
0x29: {  	[tilespmem:$0x8210] =	vst v1  }
0x2a: {  	[tilespmem:$0x8220] =	vst v2  }
0x2b: {  	[tilespmem:$0x8230] =	vst v5  }
0x2c: {  	v23 =	vld.idx.msk [tilespmem:v4+s11+$0x0], $0xffff;
	_ =	sdelay $0x4  }
0x2d: {  	v23 =	vshra.s32 v23, v6  }
0x2e: {  	v23 =	vand.u32 $0xFF, v23;
	_ =	sdelay $0x4  }
0x2f: {  	v23 =	vld.idx.msk [tilespmem:v23+s9+$0x0], $0xffff;
	_ =	sdelay $0x4  }
0x30: {  	[tilespmem:$0x8100] =	vst v23  }
0x31: {  	v24 =	vld.idx.msk [tilespmem:v7+s11+$0x0], $0xffff;
	_ =	sdelay $0x4  }
0x32: {  	v24 =	vshra.s32 v24, v6  }
0x33: {  	v24 =	vand.u32 $0xFF, v24;
	_ =	sdelay $0x4  }
0x34: {  	v24 =	vld.idx.msk [tilespmem:v24+s9+$0x0], $0xffff;
	_ =	sdelay $0x4  }
0x35: {  	[tilespmem:$0x8110] =	vst v24  }
0x36: {  	v24 =	vld.idx.msk [tilespmem:v8+s11+$0x0], $0xffff;
	_ =	sdelay $0x4  }
0x37: {  	v24 =	vshra.s32 v24, v6  }
0x38: {  	v24 =	vand.u32 $0xFF, v24;
	_ =	sdelay $0x4  }
0x39: {  	v24 =	vld.idx.msk [tilespmem:v24+s9+$0x0], $0xffff;
	_ =	sdelay $0x4  }
0x3a: {  	[tilespmem:$0x8120] =	vst v24  }
0x3b: {  	v24 =	vld.idx.msk [tilespmem:v9+s11+$0x0], $0xffff;
	_ =	sdelay $0x4  }
0x3c: {  	v24 =	vshra.s32 v24, v6  }
0x3d: {  	v24 =	vand.u32 $0xFF, v24;
	_ =	sdelay $0x4  }
0x3e: {  	v24 =	vld.idx.msk [tilespmem:v24+s9+$0x0], $0xffff;
	_ =	sdelay $0x4  }
0x3f: {  	[tilespmem:$0x8130] =	vst v24  }
0x40: {  	v24 =	vld.idx.msk [tilespmem:v10+s11+$0x0], $0xffff;
	_ =	sdelay $0x4  }
0x41: {  	v24 =	vshra.s32 v24, v6  }
0x42: {  	v24 =	vand.u32 $0xFF, v24;
	_ =	sdelay $0x4  }
0x43: {  	v24 =	vld.idx.msk [tilespmem:v24+s9+$0x0], $0xffff;
	_ =	sdelay $0x4  }
0x44: {  	[tilespmem:$0x8140] =	vst v24  }
0x45: {  	v24 =	vld.idx.msk [tilespmem:v11+s11+$0x0], $0xffff;
	_ =	sdelay $0x4  }
0x46: {  	v24 =	vshra.s32 v24, v6  }
0x47: {  	v24 =	vand.u32 $0xFF, v24;
	_ =	sdelay $0x4  }
0x48: {  	v24 =	vld.idx.msk [tilespmem:v24+s9+$0x0], $0xffff;
	_ =	sdelay $0x4  }
0x49: {  	[tilespmem:$0x8150] =	vst v24  }
0x4a: {  	v24 =	vld.idx.msk [tilespmem:v12+s11+$0x0], $0xffff;
	_ =	sdelay $0x4  }
0x4b: {  	v24 =	vshra.s32 v24, v6  }
0x4c: {  	v24 =	vand.u32 $0xFF, v24;
	_ =	sdelay $0x4  }
0x4d: {  	v24 =	vld.idx.msk [tilespmem:v24+s9+$0x0], $0xffff;
	_ =	sdelay $0x4  }
0x4e: {  	[tilespmem:$0x8160] =	vst v24  }
0x4f: {  	v24 =	vld.idx.msk [tilespmem:v13+s11+$0x0], $0xffff;
	_ =	sdelay $0x4  }
0x50: {  	v24 =	vshra.s32 v24, v6  }
0x51: {  	v24 =	vand.u32 $0xFF, v24;
	_ =	sdelay $0x4  }
0x52: {  	v24 =	vld.idx.msk [tilespmem:v24+s9+$0x0], $0xffff;
	_ =	sdelay $0x4  }
0x53: {  	[tilespmem:$0x8170] =	vst v24  }
0x54: {  	v24 =	vld.idx.msk [tilespmem:v14+s11+$0x0], $0xffff;
	_ =	sdelay $0x4  }
0x55: {  	v24 =	vshra.s32 v24, v6  }
0x56: {  	v24 =	vand.u32 $0xFF, v24;
	_ =	sdelay $0x4  }
0x57: {  	v24 =	vld.idx.msk [tilespmem:v24+s9+$0x0], $0xffff;
	_ =	sdelay $0x4  }
0x58: {  	[tilespmem:$0x8180] =	vst v24  }
0x59: {  	v24 =	vld.idx.msk [tilespmem:v15+s11+$0x0], $0xffff;
	_ =	sdelay $0x4  }
0x5a: {  	v24 =	vshra.s32 v24, v6  }
0x5b: {  	v24 =	vand.u32 $0xFF, v24;
	_ =	sdelay $0x4  }
0x5c: {  	v24 =	vld.idx.msk [tilespmem:v24+s9+$0x0], $0xffff;
	_ =	sdelay $0x4  }
0x5d: {  	[tilespmem:$0x8190] =	vst v24  }
0x5e: {  	v24 =	vld.idx.msk [tilespmem:v16+s11+$0x0], $0xffff;
	_ =	sdelay $0x4  }
0x5f: {  	v24 =	vshra.s32 v24, v6  }
0x60: {  	v24 =	vand.u32 $0xFF, v24;
	_ =	sdelay $0x4  }
0x61: {  	v24 =	vld.idx.msk [tilespmem:v24+s9+$0x0], $0xffff;
	_ =	sdelay $0x4  }
0x62: {  	[tilespmem:$0x81A0] =	vst v24  }
0x63: {  	v24 =	vld.idx.msk [tilespmem:v17+s11+$0x0], $0xffff;
	_ =	sdelay $0x4  }
0x64: {  	v24 =	vshra.s32 v24, v6  }
0x65: {  	v24 =	vand.u32 $0xFF, v24;
	_ =	sdelay $0x4  }
0x66: {  	v24 =	vld.idx.msk [tilespmem:v24+s9+$0x0], $0xffff;
	_ =	sdelay $0x4  }
0x67: {  	[tilespmem:$0x81B0] =	vst v24  }
0x68: {  	v24 =	vld.idx.msk [tilespmem:v18+s11+$0x0], $0xffff;
	_ =	sdelay $0x4  }
0x69: {  	v24 =	vshra.s32 v24, v6  }
0x6a: {  	v24 =	vand.u32 $0xFF, v24;
	_ =	sdelay $0x4  }
0x6b: {  	v24 =	vld.idx.msk [tilespmem:v24+s9+$0x0], $0xffff;
	_ =	sdelay $0x4  }
0x6c: {  	[tilespmem:$0x81C0] =	vst v24  }
0x6d: {  	v24 =	vld.idx.msk [tilespmem:v19+s11+$0x0], $0xffff;
	_ =	sdelay $0x4  }
0x6e: {  	v24 =	vshra.s32 v24, v6  }
0x6f: {  	v24 =	vand.u32 $0xFF, v24;
	_ =	sdelay $0x4  }
0x70: {  	v24 =	vld.idx.msk [tilespmem:v24+s9+$0x0], $0xffff;
	_ =	sdelay $0x4  }
0x71: {  	[tilespmem:$0x81D0] =	vst v24  }
0x72: {  	v24 =	vld.idx.msk [tilespmem:v20+s11+$0x0], $0xffff;
	_ =	sdelay $0x4  }
0x73: {  	v24 =	vshra.s32 v24, v6  }
0x74: {  	v24 =	vand.u32 $0xFF, v24;
	_ =	sdelay $0x4  }
0x75: {  	v24 =	vld.idx.msk [tilespmem:v24+s9+$0x0], $0xffff;
	_ =	sdelay $0x4  }
0x76: {  	[tilespmem:$0x81E0] =	vst v24  }
0x77: {  	v24 =	vld.idx.msk [tilespmem:v21+s11+$0x0], $0xffff;
	_ =	sdelay $0x4  }
0x78: {  	v24 =	vshra.s32 v24, v6  }
0x79: {  	v24 =	vand.u32 $0xFF, v24;
	_ =	sdelay $0x4  }
0x7a: {  	v24 =	vld.idx.msk [tilespmem:v24+s9+$0x0], $0xffff  }
0x7b: {  	s16 =	simm.s32 $0x1  }
0x7c: {  	vm0 =	veq.s32 v3, $0x0;
	v25 =	vxor.u32 s16, v3;
	s16 =	sand.u32 $0xE0, s3  }
0x7d: {  	v26 =	vor.u32 s16, v25;
	v23 =	vsel vm0, $0x0, v23  }
0x7e: {  	[tilespmem:$0x8100] =	vst v23  }
0x7f: {  	s17 =	simm.s32 $0x0;
	[tilespmem:$0x81F0] =	vst v24  }
0x80: {  	v23 =	vshrl.u32 v22, s17;
	v24 =	vld [tilespmem:s16+$0x8100]  }
0x81: {  	v23 =	vand.u32 $0x2, v23  }
0x82: {  	v23 =	vsub.s32 $0x1, v23;
	v26 =	vld.idx.msk [tilespmem:v26+s13+$0x0], $0xffff  }
0x83: {  	v23 =	vcvt.s32.f32 v23  }
0x84: {  	s18 =	sor.u32 $0x10, s16  }
0x85: {  	v25 =	vor.u32 s18, v25;
	v24 =	vmul.f32 v23, v24;
	_ =	sdelay $0x1  }
0x86: {  	v24 =	vadd.f32 v24, v26;
	_ =	sdelay $0x1  }
0x87: {  	s18 =	simm.s32 $0x0;
	s17 =	simm.s32 $0x0;
	[tilespmem:s16+$0x8100] =	vst v24;
	v24 =	vld [tilespmem:s16+$0x8110]  }
.LBB2_2:
0x88: {  	s17 =	sadd.s32 $0x2, s17;
	v25 =	vld.idx.msk [tilespmem:v25+s13+$0x0], $0xffff  }
0x89: {  	s19 =	sshrl.u32 s17, $0x4;
	p0 =	slt.u32 s17, $0x3E  }
0x8a: {  	s18 =	sadd.s32 $0x20, s18;
	s20 =	sshll.u32 s12, s19  }
0x8b: {  	v26 =	vxor.u32 s20, v3;
	s20 =	sand.u32 $0xE0, s18  }
0x8c: {  	v27 =	vor.u32 s20, v26;
	v23 =	vmul.f32 v23, v24;
	_ =	sdelay $0x1  }
0x8d: {  	v23 =	vadd.f32 v23, v25;
	_ =	sdelay $0x1  }
0x8e: {  	v24 =	vshrl.u32 v22, s19;
	v25 =	vld [tilespmem:s20+$0x8100];
	[tilespmem:s16+$0x8110] =	vst v23;
	s16 =	smov.u32 s20  }
0x8f: {  	v23 =	vand.u32 $0x2, v24;
	v24 =	vld.idx.msk [tilespmem:v27+s13+$0x0], $0xffff  }
0x90: {  	v23 =	vsub.s32 $0x1, v23  }
0x91: {  	v23 =	vcvt.s32.f32 v23  }
0x92: {  	s19 =	sor.u32 $0x10, s16  }
.Ltmp0:
0x93: {  	v27 =	vmul.f32 v23, v25;
	v25 =	vor.u32 s19, v26;
	(pc) =	sbr.rel @p0 .LBB2_2-.Ltmp0, $3  }
0x94: {  	_ = 	snop  }
0x95: {  	v24 =	vadd.f32 v27, v24;
	_ =	sdelay $0x1  }
0x96: {  	[tilespmem:s16+$0x8100] =	vst v24;
	v24 =	vld [tilespmem:s16+$0x8110]  }
0x97: {  	_ =	sdelay $0x3  }
0x98: {  	v25 =	vld.idx.msk [tilespmem:v25+s13+$0x0], $0xffff;
	_ =	sdelay $0x2  }
0x99: {  	v23 =	vmul.f32 v23, v24;
	_ =	sdelay $0x1  }
0x9a: {  	v23 =	vadd.f32 v23, v25;
	_ =	sdelay $0x1  }
0x9b: {  	[tilespmem:s16+$0x8110] =	vst v23  }
0x9c: {  	v23 =	vld [tilespmem:$0x8100]  }
0x9d: {  	v24 =	vld [tilespmem:$0x8110]  }
0x9e: {  	v25 =	vld [tilespmem:$0x8120]  }
0x9f: {  	v26 =	vld [tilespmem:$0x8130]  }
0xa0: {  	v27 =	vld [tilespmem:$0x8140]  }
0xa1: {  	v28 =	vld [tilespmem:$0x8150]  }
0xa2: {  	v29 =	vld [tilespmem:$0x8160]  }
0xa3: {  	v30 =	vld [tilespmem:$0x8170]  }
0xa4: {  	v31 =	vld [tilespmem:$0x8180]  }
0xa5: {  	v32 =	vld [tilespmem:$0x8190]  }
0xa6: {  	v33 =	vld [tilespmem:$0x81A0]  }
0xa7: {  	v34 =	vld [tilespmem:$0x81B0]  }
0xa8: {  	v35 =	vld [tilespmem:$0x81C0]  }
0xa9: {  	v37 =	vld [tilespmem:$0x81D0];
	v36 =	vadd.f32 v24, v23  }
0xaa: {  	v38 =	vld [tilespmem:$0x81E0];
	v23 =	vsub.f32 v23, v24;
	v24 =	vadd.f32 v26, v25  }
0xab: {  	v39 =	vld [tilespmem:$0x81F0];
	v25 =	vsub.f32 v25, v26;
	v26 =	vadd.f32 v28, v27  }
0xac: {  	v27 =	vsub.f32 v27, v28;
	v50 =	vadd.f32 v30, v29  }
0xad: {  	v29 =	vsub.f32 v29, v30;
	v51 =	vadd.f32 v32, v31  }
0xae: {  	v31 =	vsub.f32 v31, v32;
	v52 =	vadd.f32 v34, v33  }
0xaf: {  	v33 =	vsub.f32 v33, v34;
	v53 =	vadd.f32 v37, v35  }
0xb0: {  	v35 =	vsub.f32 v35, v37;
	v54 =	vadd.f32 v39, v38  }
0xb1: {  	v38 =	vsub.f32 v38, v39;
	v55 =	vadd.f32 v24, v36  }
0xb2: {  	v24 =	vsub.f32 v36, v24;
	v56 =	vadd.f32 v25, v23  }
0xb3: {  	v23 =	vsub.f32 v23, v25;
	v25 =	vadd.f32 v50, v26  }
0xb4: {  	v26 =	vsub.f32 v26, v50;
	v57 =	vadd.f32 v29, v27  }
0xb5: {  	v27 =	vsub.f32 v27, v29;
	v58 =	vadd.f32 v52, v51  }
0xb6: {  	v30 =	vsub.f32 v51, v52;
	v59 =	vadd.f32 v33, v31  }
0xb7: {  	v31 =	vsub.f32 v31, v33;
	v60 =	vadd.f32 v54, v53  }
0xb8: {  	v34 =	vsub.f32 v53, v54;
	v61 =	vadd.f32 v38, v35  }
0xb9: {  	v40 =	vadd.f32 v25, v55;
	v41 =	vadd.f32 v60, v58  }
0xba: {  	v35 =	vsub.f32 v35, v38;
	v62 =	vadd.f32 v57, v56  }
0xbb: {  	v42 =	vadd.f32 v61, v59;
	v43 =	vadd.f32 v41, v40  }
0xbc: {  	v44 =	vadd.f32 v26, v24;
	v40 =	vsub.f32 v40, v41  }
0xbd: {  	v63 =	vadd.f32 v34, v30;
	v45 =	vadd.f32 v42, v62;
	[tilespmem:$0x8100] =	vst v43  }
0xbe: {  	v46 =	vadd.f32 v27, v23;
	v38 =	vsub.f32 v62, v42;
	[tilespmem:$0x8180] =	vst v40  }
0xbf: {  	v47 =	vadd.f32 v35, v31;
	v48 =	vadd.f32 v63, v44;
	[tilespmem:$0x8110] =	vst v45  }
0xc0: {  	v25 =	vsub.f32 v55, v25;
	v49 =	vsub.f32 v44, v63;
	[tilespmem:$0x8190] =	vst v38  }
0xc1: {  	v29 =	vsub.f32 v58, v60;
	v50 =	vadd.f32 v47, v46;
	[tilespmem:$0x8120] =	vst v48  }
0xc2: {  	v28 =	vsub.f32 v56, v57;
	v51 =	vsub.f32 v46, v47;
	[tilespmem:$0x81A0] =	vst v49  }
0xc3: {  	v32 =	vsub.f32 v59, v61;
	v52 =	vadd.f32 v29, v25;
	[tilespmem:$0x8130] =	vst v50  }
0xc4: {  	v24 =	vsub.f32 v24, v26;
	v25 =	vsub.f32 v25, v29;
	[tilespmem:$0x81B0] =	vst v51  }
0xc5: {  	v26 =	vsub.f32 v30, v34;
	v53 =	vadd.f32 v32, v28;
	[tilespmem:$0x8140] =	vst v52  }
0xc6: {  	v27 =	vsub.f32 v23, v27;
	v23 =	vsub.f32 v28, v32;
	[tilespmem:$0x81C0] =	vst v25  }
0xc7: {  	s30 =	simm.s32 $0x0;
	v54 =	vadd.f32 v26, v24;
	v25 =	vsub.f32 v31, v35;
	[tilespmem:$0x8150] =	vst v53  }
0xc8: {  	v24 =	vsub.f32 v24, v26;
	v26 =	vmov s30;
	[tilespmem:$0x81D0] =	vst v23;
	v23 =	vmul.u32 $0x80, v3  }
0xc9: {  	v26 =	vshll.u32 v26, $0x7;
	[tilespmem:$0x8160] =	vst v54;
	v55 =	vadd.f32 v25, v27  }
0xca: {  	[tilespmem:$0x81E0] =	vst v24;
	v24 =	vsub.f32 v27, v25;
	v25 =	vor.u32 v23, v26  }
0xcb: {  	v26 =	vor.u32 $0x2, v25;
	[tilespmem:$0x8170] =	vst v55  }
0xcc: {  	[tilespmem:$0x81F0] =	vst v24;
	v24 =	vor.u32 $0x1, v25  }
0xcd: {  	_ =	swait.ge [sflag:s12], $0x8000  }
0xce: {  	v27 =	vor.u32 $0x3, v25;
	[sflag:s12] =	ssyncset.done $0x0  }
0xcf: {  	v56 =	vor.u32 $0x4, v25;
	[sflag:s12] =	ssyncadd.s32 $0xFFFF8000  }
0xd0: {  	v57 =	vor.u32 $0x5, v25;
	v26 =	vld.idx.msk [tilespmem:v26+s3+$0x0], $0xffff  }
0xd1: {  	v58 =	vor.u32 $0x6, v25;
	v24 =	vld.idx.msk [tilespmem:v24+s3+$0x0], $0xffff  }
0xd2: {  	v59 =	vld.idx.msk [tilespmem:v25+s3+$0x0], $0xffff;
	v25 =	vor.u32 $0x7, v25  }
0xd3: {  	v27 =	vld.idx.msk [tilespmem:v27+s3+$0x0], $0xffff  }
0xd4: {  	v28 =	vld.idx.msk [tilespmem:v56+s3+$0x0], $0xffff  }
0xd5: {  	v29 =	vld.idx.msk [tilespmem:v57+s3+$0x0], $0xffff  }
0xd6: {  	v30 =	vld.idx.msk [tilespmem:v58+s3+$0x0], $0xffff;
	v24 =	vshll.u32 v24, $0x1  }
0xd7: {  	v25 =	vld.idx.msk [tilespmem:v25+s3+$0x0], $0xffff;
	v26 =	vshll.u32 v26, $0x2;
	v24 =	vadd.s32 v59, v24  }
0xd8: {  	v24 =	vadd.s32 v26, v24;
	v26 =	vshll.u32 v27, $0x3  }
0xd9: {  	v24 =	vadd.s32 v26, v24;
	v26 =	vshll.u32 v28, $0x4  }
0xda: {  	v24 =	vadd.s32 v26, v24;
	v26 =	vshll.u32 v29, $0x5  }
0xdb: {  	v24 =	vadd.s32 v26, v24;
	v26 =	vshll.u32 v30, $0x6  }
0xdc: {  	v25 =	vshll.u32 v25, $0x7;
	v24 =	vadd.s32 v26, v24  }
0xdd: {  	v24 =	vadd.s32 v25, v24;
	_ =	sdelay $0x2  }
0xde: {  	s31 =	simm.s32 $0x10  }
0xdf: {  	v25 =	vmov s31  }
0xe0: {  	v25 =	vshll.u32 v25, $0x7;
	v24 =	vld.idx.msk [tilespmem:v24+s13+$0x0], $0xffff  }
0xe1: {  	v25 =	vor.u32 v23, v25  }
0xe2: {  	v26 =	vor.u32 $0x1, v25  }
0xe3: {  	v27 =	vor.u32 $0x2, v25  }
0xe4: {  	s16 =	simm.s32 $0x8290;
	v60 =	vor.u32 $0x3, v25  }
0xe5: {  	[tilespmem:s16+$0xFFFFFFF0] =	vst v24;
	v24 =	vor.u32 $0x4, v25  }
0xe6: {  	v62 =	vor.u32 $0x5, v25;
	v61 =	vld.idx.msk [tilespmem:v25+s3+$0x0], $0xffff  }
0xe7: {  	v63 =	vor.u32 $0x6, v25;
	v26 =	vld.idx.msk [tilespmem:v26+s3+$0x0], $0xffff  }
0xe8: {  	v27 =	vld.idx.msk [tilespmem:v27+s3+$0x0], $0xffff;
	v25 =	vor.u32 $0x7, v25  }
0xe9: {  	v28 =	vld.idx.msk [tilespmem:v60+s3+$0x0], $0xffff  }
0xea: {  	v24 =	vld.idx.msk [tilespmem:v24+s3+$0x0], $0xffff  }
0xeb: {  	v30 =	vld.idx.msk [tilespmem:v62+s3+$0x0], $0xffff  }
0xec: {  	v31 =	vld.idx.msk [tilespmem:v63+s3+$0x0], $0xffff;
	v26 =	vshll.u32 v26, $0x1  }
0xed: {  	v25 =	vld.idx.msk [tilespmem:v25+s3+$0x0], $0xffff;
	v27 =	vshll.u32 v27, $0x2;
	v26 =	vadd.s32 v61, v26  }
0xee: {  	v26 =	vadd.s32 v27, v26;
	v27 =	vshll.u32 v28, $0x3  }
0xef: {  	v26 =	vadd.s32 v27, v26;
	v24 =	vshll.u32 v24, $0x4  }
0xf0: {  	v24 =	vadd.s32 v24, v26;
	v26 =	vshll.u32 v30, $0x5  }
0xf1: {  	v24 =	vadd.s32 v26, v24;
	v26 =	vshll.u32 v31, $0x6  }
0xf2: {  	v25 =	vshll.u32 v25, $0x7;
	v24 =	vadd.s32 v26, v24  }
0xf3: {  	v24 =	vadd.s32 v25, v24;
	_ =	sdelay $0x1  }
0xf4: {  	s17 =	simm.s32 $0x0;
	s18 =	simm.s32 $0x30  }
.LBB2_4:
0xf5: {  	s19 =	sadd.s32 $0xFFFFFFF0, s18  }
0xf6: {  	v25 =	vmov s19  }
0xf7: {  	s17 =	sadd.s32 $0x2, s17;
	v25 =	vshll.u32 v25, $0x7;
	v24 =	vld.idx.msk [tilespmem:v24+s13+$0x0], $0xffff  }
0xf8: {  	p0 =	slt.u32 s17, $0xE;
	v25 =	vor.u32 v23, v25  }
0xf9: {  	v26 =	vor.u32 $0x2, v25  }
0xfa: {  	v27 =	vor.u32 $0x1, v25;
	_ =	sdelay $0x1  }
0xfb: {  	v28 =	vor.u32 $0x3, v25  }
0xfc: {  	v29 =	vor.u32 $0x4, v25;
	[tilespmem:s16+$0x0] =	vst v24  }
0xfd: {  	v24 =	vld.idx.msk [tilespmem:v26+s3+$0x0], $0xffff;
	v26 =	vor.u32 $0x5, v25  }
0xfe: {  	v30 =	vor.u32 $0x6, v25;
	v27 =	vld.idx.msk [tilespmem:v27+s3+$0x0], $0xffff  }
0xff: {  	v31 =	vld.idx.msk [tilespmem:v25+s3+$0x0], $0xffff;
	v25 =	vor.u32 $0x7, v25  }
0x100: {  	v28 =	vld.idx.msk [tilespmem:v28+s3+$0x0], $0xffff  }
0x101: {  	v29 =	vld.idx.msk [tilespmem:v29+s3+$0x0], $0xffff  }
0x102: {  	v26 =	vld.idx.msk [tilespmem:v26+s3+$0x0], $0xffff  }
0x103: {  	v30 =	vld.idx.msk [tilespmem:v30+s3+$0x0], $0xffff  }
0x104: {  	v27 =	vshll.u32 v27, $0x1;
	v25 =	vld.idx.msk [tilespmem:v25+s3+$0x0], $0xffff  }
0x105: {  	v24 =	vshll.u32 v24, $0x2;
	v27 =	vadd.s32 v31, v27  }
0x106: {  	v24 =	vadd.s32 v24, v27;
	v27 =	vshll.u32 v28, $0x3  }
0x107: {  	v24 =	vadd.s32 v27, v24;
	v27 =	vshll.u32 v29, $0x4  }
0x108: {  	v24 =	vadd.s32 v27, v24;
	v26 =	vshll.u32 v26, $0x5  }
0x109: {  	v24 =	vadd.s32 v26, v24;
	v26 =	vshll.u32 v30, $0x6  }
0x10a: {  	v24 =	vadd.s32 v26, v24;
	v25 =	vshll.u32 v25, $0x7  }
0x10b: {  	v24 =	vadd.s32 v25, v24;
	_ =	sdelay $0x4  }
0x10c: {  	v25 =	vmov s18;
	v24 =	vld.idx.msk [tilespmem:v24+s13+$0x0], $0xffff  }
0x10d: {  	v25 =	vshll.u32 v25, $0x7  }
0x10e: {  	v25 =	vor.u32 v23, v25  }
0x10f: {  	v26 =	vor.u32 $0x1, v25  }
0x110: {  	v27 =	vor.u32 $0x2, v25  }
0x111: {  	s16 =	sadd.s32 $0x20, s16;
	v28 =	vor.u32 $0x3, v25  }
0x112: {  	[tilespmem:s16+$0xFFFFFFF0] =	vst v24;
	v24 =	vor.u32 $0x4, v25  }
0x113: {  	v30 =	vor.u32 $0x5, v25;
	v29 =	vld.idx.msk [tilespmem:v25+s3+$0x0], $0xffff  }
0x114: {  	v31 =	vor.u32 $0x6, v25;
	v26 =	vld.idx.msk [tilespmem:v26+s3+$0x0], $0xffff  }
0x115: {  	v25 =	vor.u32 $0x7, v25;
	v27 =	vld.idx.msk [tilespmem:v27+s3+$0x0], $0xffff  }
0x116: {  	v28 =	vld.idx.msk [tilespmem:v28+s3+$0x0], $0xffff  }
0x117: {  	v24 =	vld.idx.msk [tilespmem:v24+s3+$0x0], $0xffff  }
0x118: {  	v30 =	vld.idx.msk [tilespmem:v30+s3+$0x0], $0xffff  }
0x119: {  	v31 =	vld.idx.msk [tilespmem:v31+s3+$0x0], $0xffff  }
0x11a: {  	v26 =	vshll.u32 v26, $0x1;
	v25 =	vld.idx.msk [tilespmem:v25+s3+$0x0], $0xffff  }
0x11b: {  	v26 =	vadd.s32 v29, v26;
	v27 =	vshll.u32 v27, $0x2  }
0x11c: {  	v26 =	vadd.s32 v27, v26;
	v27 =	vshll.u32 v28, $0x3  }
0x11d: {  	v26 =	vadd.s32 v27, v26;
	v24 =	vshll.u32 v24, $0x4  }
0x11e: {  	v24 =	vadd.s32 v24, v26;
	v26 =	vshll.u32 v30, $0x5  }
.Ltmp1:
0x11f: {  	v24 =	vadd.s32 v26, v24;
	v26 =	vshll.u32 v31, $0x6;
	(pc) =	sbr.rel @p0 .LBB2_4-.Ltmp1, $3  }
0x120: {  	v24 =	vadd.s32 v26, v24;
	v25 =	vshll.u32 v25, $0x7  }
0x121: {  	v24 =	vadd.s32 v25, v24;
	_ =	sdelay $0x1  }
0x122: {  	s18 =	sadd.s32 $0x20, s18  }
0x123: {  	_ =	sdelay $0x3  }
0x124: {  	v23 =	vld.idx.msk [tilespmem:v24+s13+$0x0], $0xffff;
	_ =	sdelay $0x2  }
0x125: {  	s15 =	sadd.s32 $0x1, s15  }
0x126: {  	p0 =	sne.s32 s15, s6  }
.Ltmp2:
0x127: {  	[tilespmem:s16+$0x0] =	vst v23;
	(pc) =	sbr.rel @p0 .LBB2_1-.Ltmp2, $4  }
0x128: {  	[hbm4b:s5+s3] =	stream.linear.scatter [tilespmem:s14], [sflag:$0x2], $0x100, $0x38;
	[tilespmem:$0x8380] =	vst v63  }
0x129: {  	_ =	swait.ge [sflag:s10], $0x100  }
0x12a: {  	[sflag:s10] =	ssyncset.done $0x0  }
0x12b: {  	[sflag:s10] =	ssyncadd.s32 $0xFFFFFF00  }
0x12c: {  	_ =	sfence.sel $0x180000  }
0x12d: {  	[bflag:$0x0] =	sbarrier.arrive $0xFFFF  }
0x12e: {  	p0 =	sne.s32 s2, $0x0;
	_ =	strace $0x90000047  }
0x12f: {  	s0 =	sadd.s32 @!p0 $0x100000, s1;
	[bflag:$0x2] =	sbarrier.arrive $0xFFFF  }
0x130: {  	[sflag:s0] =	ssyncadd.tile.s32 @!p0 $0x1;
	_ =	shalt  }
.Lfunc_end2:
_tile_overlayer_lowered:
.L_overlay_start_2:
0x131: {  	(tag) =	ssettag $0x2  }
0x132: {  	s0 =	rddreg [dreg:$0x0];
	s2 =	stileid.u32  }
0x133: {  	s1 =	rddreg [dreg:$0x1];
	p0 =	sne.s32 s2, $0x0  }
0x134: {  	s3 =	rddreg [dreg:$0x2];
	[bflag:$0x3] =	sbarrier.arrive $0xFFFF;
	s2 =	simm.s32 @!p0 $0x1C02  }
0x135: {  	[timem:s3], [sflag:s2] =	dma.local @!p0 [hbm:s0], s1  }
0x136: {  	s0 =	simm.s32 @!p0 $0x2  }
0x137: {  	_ =	swait.ge @!p0 [sflag:s0], s1  }
0x138: {  	s1 =	ssub.s32 @!p0 $0x0, s1;
	[sflag:s0] =	ssyncset.done @!p0 $0x0  }
0x139: {  	[sflag:s0] =	ssyncadd.s32 @!p0 s1  }
0x13a: {  	[bflag:$0x3] =	sbarrier.arrive $0xFFFF  }
0x13b: {  	_ =	shalt  }

</sc_bundles>
